<compile_context>
chip_gen: v7x
topology: tpu7x:2x2x1
jax: 0.10.2.dev20260603
libtpu: 0.0.44.dev20260713+nightly
codegen_flags: <defaults>
</compile_context>

<pallas_src>
import functools

import jax
import jax.numpy as jnp
from jax import lax
from jax.experimental import pallas as pl
from jax.experimental.pallas import tpu as pltpu
from jax.experimental.pallas import tpu_sc as plsc

N = 10000
E = 320000
D = 128

NC = 2
NS = 16
NW = NC * NS
EPW = E // NW
CH = 80
NCHUNK = EPW // CH
NBUF = 13
LOOK = 8
NMAIN = (NCHUNK // NBUF) * NBUF

ROWS_A = 624
ROWS_LAST = N - (NS - 1) * ROWS_A
DEG_P = 10240


EBLK = E // 10


def _proj_body(x_ref, w1_ref, e_ref, y_ref, src_ref, dst_ref):
    y_ref[...] = jnp.dot(x_ref[...], w1_ref[...],
                         preferred_element_type=jnp.float32).astype(jnp.bfloat16)
    i = pl.program_id(0)
    sl = pl.ds(i * EBLK, EBLK)
    src_ref[sl] = e_ref[0, sl]
    dst_ref[sl] = e_ref[1, sl]


def _project(x, w1t, edge_index, blk=1000):
    return pl.pallas_call(
        _proj_body,
        grid=(N // blk,),
        in_specs=[
            pl.BlockSpec((blk, D), lambda i: (i, 0)),
            pl.BlockSpec((D, D), lambda i: (0, 0)),
            pl.BlockSpec((2, E), lambda i: (0, 0)),
        ],
        out_specs=[
            pl.BlockSpec((blk, D), lambda i: (i, 0)),
            pl.BlockSpec((E,), lambda i: (0,)),
            pl.BlockSpec((E,), lambda i: (0,)),
        ],
        out_shape=[
            jax.ShapeDtypeStruct((N, D), jnp.bfloat16),
            jax.ShapeDtypeStruct((E,), jnp.int32),
            jax.ShapeDtypeStruct((E,), jnp.int32),
        ],
    )(x, w1t, edge_index)


def _zproj_body(x_ref, w2_ref, z_ref):
    z_ref[...] = jnp.dot(x_ref[...], w2_ref[...],
                         preferred_element_type=jnp.float32)


def _zproject(x, w2t, blk=1000):
    return pl.pallas_call(
        _zproj_body,
        grid=(N // blk,),
        in_specs=[
            pl.BlockSpec((blk, D), lambda i: (i, 0)),
            pl.BlockSpec((D, D), lambda i: (0, 0)),
        ],
        out_specs=pl.BlockSpec((blk, D), lambda i: (i, 0)),
        out_shape=jax.ShapeDtypeStruct((N, D), jnp.float32),
    )(x, w2t)


def _seg_body(y_hbm, z_hbm, z1_hbm, src_hbm, dst_hbm, out_hbm, deg_hbm,
              sidx, didx, ones_v, rows, acc, dacc, gsems, ssems, dsem):
    c = lax.axis_index("c")
    s = lax.axis_index("s")
    wid = s * NC + c
    base = wid * EPW

    r0 = s * ROWS_A

    @pl.when(s < NS - 1)
    def _():
        pltpu.sync_copy(z_hbm.at[pl.ds(0, ROWS_A)], acc.at[pl.ds(r0, ROWS_A)])

    @pl.when(s == NS - 1)
    def _():
        pltpu.sync_copy(z_hbm, acc.at[pl.ds(r0, ROWS_LAST)])

    pltpu.sync_copy(z1_hbm, dacc.at[pl.ds(s * ROWS_LAST, ROWS_LAST)])

    ov = jnp.full((16,), 1.0, jnp.float32)
    for k in range(CH // 16):
        ones_v[pl.ds(k * 16, 16)] = ov
    ones_v[pl.ds(CH - 16, 16)] = ov

    pltpu.sync_copy(src_hbm.at[pl.ds(base, EPW)], sidx)
    pltpu.sync_copy(dst_hbm.at[pl.ds(base, EPW)], didx)

    plsc.subcore_barrier()

    def wait_rows(sem):
        pltpu.make_async_copy(y_hbm.at[pl.ds(0, CH)], rows[0], sem).wait()

    def issue_gather(i, b):
        pltpu.async_copy(y_hbm.at[sidx.at[pl.ds(i * CH, CH)]], rows[b], gsems[b])

    for b in range(LOOK):
        issue_gather(b, b)

    def body(i, b):
        wait_rows(gsems[b])
        didx_i = didx.at[pl.ds(i * CH, CH)]
        pltpu.async_copy(rows[b], acc.at[didx_i], ssems[b], add=True)
        pltpu.async_copy(ones_v, dacc.at[didx_i], dsem, add=True)
        j = i + LOOK
        bj = (b + LOOK) % NBUF

        @pl.when(jnp.logical_and(j < NCHUNK, i >= NBUF - LOOK))
        def _():
            wait_rows(ssems[bj])
            issue_gather(j, bj)

        @pl.when(jnp.logical_and(j < NCHUNK, i < NBUF - LOOK))
        def _():
            issue_gather(j, bj)

    def group(g, carry):
        for b in range(NBUF):
            body(g * NBUF + b, b)
        return carry

    lax.fori_loop(0, NMAIN // NBUF, group, 0)

    for i in range(NMAIN, NCHUNK):
        b = i % NBUF
        wait_rows(gsems[b])
        didx_t = didx.at[pl.ds(i * CH, CH)]
        pltpu.async_copy(rows[b], acc.at[didx_t], ssems[b], add=True)
        pltpu.async_copy(ones_v, dacc.at[didx_t], dsem, add=True)

    for b in range(NBUF):
        wait_rows(ssems[b])
    pltpu.make_async_copy(src_hbm.at[pl.ds(0, EPW)], sidx, dsem).wait()

    plsc.subcore_barrier()

    @pl.when(s < NS - 1)
    def _():
        pltpu.sync_copy(acc.at[pl.ds(r0, ROWS_A)], out_hbm.at[c, pl.ds(r0, ROWS_A)])

    @pl.when(s == NS - 1)
    def _():
        pltpu.sync_copy(acc.at[pl.ds(r0, ROWS_LAST)],
                        out_hbm.at[c, pl.ds(r0, ROWS_LAST)])

    pltpu.sync_copy(dacc.at[pl.ds(s * ROWS_LAST, ROWS_LAST)],
                    deg_hbm.at[c, pl.ds(s * ROWS_LAST, ROWS_LAST)])


def _segment_sum(y, zeros, zeros1, src, dst):
    mesh = plsc.VectorSubcoreMesh(core_axis_name="c", subcore_axis_name="s")
    f = functools.partial(
        pl.kernel,
        out_type=[
            jax.ShapeDtypeStruct((NC, N, D), jnp.bfloat16),
            jax.ShapeDtypeStruct((NC, DEG_P), jnp.float32),
        ],
        mesh=mesh,
        scratch_types=[
            pltpu.VMEM((EPW,), jnp.int32),
            pltpu.VMEM((EPW,), jnp.int32),
            pltpu.VMEM((CH,), jnp.float32),
            [pltpu.VMEM((CH, D), jnp.bfloat16) for _ in range(NBUF)],
            pltpu.VMEM_SHARED((N, D), jnp.bfloat16),
            pltpu.VMEM_SHARED((DEG_P,), jnp.float32),
            [pltpu.SemaphoreType.DMA for _ in range(NBUF)],
            [pltpu.SemaphoreType.DMA for _ in range(NBUF)],
            pltpu.SemaphoreType.DMA,
        ],
        compiler_params=pltpu.CompilerParams(use_tc_tiling_on_sc=False),
    )(_seg_body)
    return f(y, zeros, zeros1, src, dst)


def _final_body(s_ref, deg_ref, z_ref, o_ref):
    stot = (s_ref[0].astype(jnp.float32)
            + s_ref[1].astype(jnp.float32))
    deg = deg_ref[0, :N] + deg_ref[1, :N]
    deg = jnp.maximum(deg, 1.0)
    o_ref[...] = stot / deg[:, None] + z_ref[...]


def _finalize(s, degs, z):
    return pl.pallas_call(
        _final_body,
        out_shape=jax.ShapeDtypeStruct((N, D), jnp.float32),
    )(s, degs, z)


def kernel(in_features, edge_index, W1, W2, layer_id):
    y, src, dst = _project(in_features, W1.T, edge_index)
    z = _zproject(in_features, W2.T)
    zeros = jnp.zeros((ROWS_LAST, D), jnp.bfloat16)
    zeros1 = jnp.zeros((ROWS_LAST,), jnp.float32)
    s, degs = _segment_sum(y, zeros, zeros1, src, dst)
    return _finalize(s, degs, z)

# --- scband reference (transcript-rebuilt; emitter-appended) ---
"""Pipeline reference for scband-dist-sage-conv-82197084110915 (READ-ONLY COPY).

The authoritative reference and input builder live on the scoring server;
editing this copy changes nothing except your own understanding.
"""

import jax, jax.numpy as jnp
import numpy as np

N = 10000
E = 320000
D_IN = 128
D_OUT = 128


def _xavier_uniform(key, shape, gain):
    fan_out, fan_in = shape
    bound = gain * np.sqrt(6.0 / (fan_in + fan_out))
    return jax.random.uniform(key, shape, minval=-bound, maxval=bound, dtype=jnp.float32)


def setup_inputs(seed: int = 0) -> dict:
    key = jax.random.key(seed)
    k1, k2, k3, k4 = jax.random.split(key, 4)
    in_features = jax.random.normal(k1, (N, D_IN), dtype=jnp.float32)
    edge_index = jax.random.randint(k2, (2, E), 0, N, dtype=jnp.int32)
    gain = np.sqrt(2.0)  # calculate_gain('relu')
    W1 = _xavier_uniform(k3, (D_OUT, D_IN), gain)  # fc1.weight
    W2 = _xavier_uniform(k4, (D_OUT, D_IN), gain)  # fc2.weight
    return {"in_features": in_features, "edge_index": edge_index, "W1": W1, "W2": W2, "layer_id": 0}


def reference(in_features, edge_index, W1, W2, layer_id=0):
    # Single-partition (num_gpus=1, skip_shuffle) semantics of DistSageConv.forward
    src = edge_index[0]
    dst = edge_index[1]
    # fc1.in_features (128) > fc1.out_features (128) is False -> aggregate raw features first
    out = in_features
    # gather_local / gather_remote + merge == scatter-add of src features into dst nodes
    gathered = jnp.take(out, src, axis=0)
    out3 = jax.ops.segment_sum(gathered, dst, num_segments=N)
    # out_degrees normalization (clamp to 1 to avoid div-by-zero for isolated nodes)
    deg = jax.ops.segment_sum(jnp.ones((E,), dtype=jnp.float32), dst, num_segments=N)
    deg = jnp.maximum(deg, 1.0)
    out4 = out3 / deg[:, None]
    # fc1 applied after aggregation in this branch
    out4 = out4 @ W1.T
    # self path: self_gather == identity on local nodes, then fc2
    out6 = in_features @ W2.T
    final = out4 + out6
    return final

if __name__ == "__main__":
    import jax
    _d = setup_inputs()
    print(jax.jit(kernel)(*tuple(_d.values())))

</pallas_src>

<mosaic_0001>
#map = affine_map<(d0, d1) -> (0, 0)>
#map1 = affine_map<(d0, d1) -> (0)>
#map2 = affine_map<(d0, d1) -> (0, 0, 0)>
module attributes {stable_mosaic.version = 14 : i64} {
  func.func @_seg_body(%arg0: i32, %arg1: i32, %arg2: memref<10000x128xbf16, #tpu.memory_space<hbm>>, %arg3: memref<640x128xbf16, #tpu.memory_space<hbm>>, %arg4: memref<640xf32, #tpu.memory_space<hbm>>, %arg5: memref<320000xi32, #tpu.memory_space<hbm>>, %arg6: memref<320000xi32, #tpu.memory_space<hbm>>, %arg7: memref<2x10000x128xbf16, #tpu.memory_space<hbm>>, %arg8: memref<2x10240xf32, #tpu.memory_space<hbm>>, %arg9: memref<10000xi32, #tpu.memory_space<vmem>>, %arg10: memref<10000xi32, #tpu.memory_space<vmem>>, %arg11: memref<80xf32, #tpu.memory_space<vmem>>, %arg12: memref<80x128xbf16, #tpu.memory_space<vmem>>, %arg13: memref<80x128xbf16, #tpu.memory_space<vmem>>, %arg14: memref<80x128xbf16, #tpu.memory_space<vmem>>, %arg15: memref<80x128xbf16, #tpu.memory_space<vmem>>, %arg16: memref<80x128xbf16, #tpu.memory_space<vmem>>, %arg17: memref<80x128xbf16, #tpu.memory_space<vmem>>, %arg18: memref<80x128xbf16, #tpu.memory_space<vmem>>, %arg19: memref<80x128xbf16, #tpu.memory_space<vmem>>, %arg20: memref<80x128xbf16, #tpu.memory_space<vmem>>, %arg21: memref<80x128xbf16, #tpu.memory_space<vmem>>, %arg22: memref<80x128xbf16, #tpu.memory_space<vmem>>, %arg23: memref<80x128xbf16, #tpu.memory_space<vmem>>, %arg24: memref<80x128xbf16, #tpu.memory_space<vmem>>, %arg25: memref<10000x128xbf16, #tpu.memory_space<vmem_shared>>, %arg26: memref<10240xf32, #tpu.memory_space<vmem_shared>>, %arg27: memref<!tpu.dma_semaphore, #tpu.memory_space<semaphore_mem>>, %arg28: memref<!tpu.dma_semaphore, #tpu.memory_space<semaphore_mem>>, %arg29: memref<!tpu.dma_semaphore, #tpu.memory_space<semaphore_mem>>, %arg30: memref<!tpu.dma_semaphore, #tpu.memory_space<semaphore_mem>>, %arg31: memref<!tpu.dma_semaphore, #tpu.memory_space<semaphore_mem>>, %arg32: memref<!tpu.dma_semaphore, #tpu.memory_space<semaphore_mem>>, %arg33: memref<!tpu.dma_semaphore, #tpu.memory_space<semaphore_mem>>, %arg34: memref<!tpu.dma_semaphore, #tpu.memory_space<semaphore_mem>>, %arg35: memref<!tpu.dma_semaphore, #tpu.memory_space<semaphore_mem>>, %arg36: memref<!tpu.dma_semaphore, #tpu.memory_space<semaphore_mem>>, %arg37: memref<!tpu.dma_semaphore, #tpu.memory_space<semaphore_mem>>, %arg38: memref<!tpu.dma_semaphore, #tpu.memory_space<semaphore_mem>>, %arg39: memref<!tpu.dma_semaphore, #tpu.memory_space<semaphore_mem>>, %arg40: memref<!tpu.dma_semaphore, #tpu.memory_space<semaphore_mem>>, %arg41: memref<!tpu.dma_semaphore, #tpu.memory_space<semaphore_mem>>, %arg42: memref<!tpu.dma_semaphore, #tpu.memory_space<semaphore_mem>>, %arg43: memref<!tpu.dma_semaphore, #tpu.memory_space<semaphore_mem>>, %arg44: memref<!tpu.dma_semaphore, #tpu.memory_space<semaphore_mem>>, %arg45: memref<!tpu.dma_semaphore, #tpu.memory_space<semaphore_mem>>, %arg46: memref<!tpu.dma_semaphore, #tpu.memory_space<semaphore_mem>>, %arg47: memref<!tpu.dma_semaphore, #tpu.memory_space<semaphore_mem>>, %arg48: memref<!tpu.dma_semaphore, #tpu.memory_space<semaphore_mem>>, %arg49: memref<!tpu.dma_semaphore, #tpu.memory_space<semaphore_mem>>, %arg50: memref<!tpu.dma_semaphore, #tpu.memory_space<semaphore_mem>>, %arg51: memref<!tpu.dma_semaphore, #tpu.memory_space<semaphore_mem>>, %arg52: memref<!tpu.dma_semaphore, #tpu.memory_space<semaphore_mem>>, %arg53: memref<!tpu.dma_semaphore, #tpu.memory_space<semaphore_mem>>) attributes {dimension_semantics = [#tpu.dimension_semantics<core_parallel>, #tpu.dimension_semantics<subcore_parallel>], iteration_bounds = array<i64: 2, 16>, scalar_prefetch = 0 : i64, scratch_operands = 45 : i64, tpu.core_type = #tpu.core_type<sc_vector_subcore>, window_params = [{transform_indices = #map}, {transform_indices = #map}, {transform_indices = #map1}, {transform_indices = #map1}, {transform_indices = #map1}, {transform_indices = #map2}, {transform_indices = #map}]} {
    %mul3A = arith.constant 2 : i32
    %mul3A_0 = arith.muli %arg1, %mul3A : i32
    %add3A = arith.addi %mul3A_0, %arg0 : i32
    %mul3A_1 = arith.constant 10000 : i32
    %mul3A_2 = arith.muli %add3A, %mul3A_1 : i32
    %mul3A_3 = arith.constant 624 : i32
    %mul3A_4 = arith.muli %arg1, %mul3A_3 : i32
    %lt3A = arith.constant 15 : i32
    %lt3A_5 = arith.cmpi slt, %arg1, %lt3A : i32
    %convert_element_type3A = arith.extui %lt3A_5 : i1 to i32
    %cond3A = arith.constant 0 : i32
    %cond3A_6 = arith.cmpi ne, %convert_element_type3A, %cond3A : i32
    scf.if %cond3A_6 {
      "tpu.region"() ({
        %run_scoped3A = tpu.sem_alloc : memref<!tpu.dma_semaphore, #tpu.memory_space<semaphore_mem>>
        %dma_start3A_297 = arith.constant 0 : i32
        %dma_start3A_298 = tpu.memref_slice %arg25[%mul3A_4, %dma_start3A_297] : memref<10000x128xbf16, #tpu.memory_space<vmem_shared>> -> memref<624x128xbf16, #tpu.memory_space<vmem_shared>>
        %dma_start3A_299 = arith.constant 0 : i32
        %dma_start3A_300 = arith.constant 0 : i32
        %dma_start3A_301 = tpu.memref_slice %arg3[%dma_start3A_299, %dma_start3A_300] : memref<640x128xbf16, #tpu.memory_space<hbm>> -> memref<624x128xbf16, #tpu.memory_space<hbm>>
        tpu.enqueue_dma source(%dma_start3A_301 : memref<624x128xbf16, #tpu.memory_space<hbm>>) target(%dma_start3A_298 : memref<624x128xbf16, #tpu.memory_space<vmem_shared>>) target_semaphore(%run_scoped3A : memref<!tpu.dma_semaphore, #tpu.memory_space<semaphore_mem>>)
        %dma_wait3A_302 = arith.constant 0 : i32
        %dma_wait3A_303 = tpu.memref_slice %arg25[%mul3A_4, %dma_wait3A_302] : memref<10000x128xbf16, #tpu.memory_space<vmem_shared>> -> memref<624x128xbf16, #tpu.memory_space<vmem_shared>>
        %dma_wait3A_304 = arith.constant 0 : i32
        %dma_wait3A_305 = arith.constant 0 : i32
        %dma_wait3A_306 = tpu.memref_slice %arg3[%dma_wait3A_304, %dma_wait3A_305] : memref<640x128xbf16, #tpu.memory_space<hbm>> -> memref<624x128xbf16, #tpu.memory_space<hbm>>
        tpu.wait_dma2 semaphore(%run_scoped3A : memref<!tpu.dma_semaphore, #tpu.memory_space<semaphore_mem>>) src(%dma_wait3A_306 : memref<624x128xbf16, #tpu.memory_space<hbm>>) dst(%dma_wait3A_303 : memref<624x128xbf16, #tpu.memory_space<vmem_shared>>)
        tpu.yield
      }) : () -> ()
    } else {
    }
    %eq3A = arith.constant 15 : i32
    %eq3A_7 = arith.cmpi eq, %arg1, %eq3A : i32
    %convert_element_type3A_8 = arith.extui %eq3A_7 : i1 to i32
    %cond3A_9 = arith.constant 0 : i32
    %cond3A_10 = arith.cmpi ne, %convert_element_type3A_8, %cond3A_9 : i32
    scf.if %cond3A_10 {
      "tpu.region"() ({
        %run_scoped3A = tpu.sem_alloc : memref<!tpu.dma_semaphore, #tpu.memory_space<semaphore_mem>>
        %dma_start3A_297 = arith.constant 0 : i32
        %dma_start3A_298 = tpu.memref_slice %arg25[%mul3A_4, %dma_start3A_297] : memref<10000x128xbf16, #tpu.memory_space<vmem_shared>> -> memref<640x128xbf16, #tpu.memory_space<vmem_shared>>
        tpu.enqueue_dma source(%arg3 : memref<640x128xbf16, #tpu.memory_space<hbm>>) target(%dma_start3A_298 : memref<640x128xbf16, #tpu.memory_space<vmem_shared>>) target_semaphore(%run_scoped3A : memref<!tpu.dma_semaphore, #tpu.memory_space<semaphore_mem>>)
        %dma_wait3A_299 = arith.constant 0 : i32
        %dma_wait3A_300 = tpu.memref_slice %arg25[%mul3A_4, %dma_wait3A_299] : memref<10000x128xbf16, #tpu.memory_space<vmem_shared>> -> memref<640x128xbf16, #tpu.memory_space<vmem_shared>>
        tpu.wait_dma2 semaphore(%run_scoped3A : memref<!tpu.dma_semaphore, #tpu.memory_space<semaphore_mem>>) src(%arg3 : memref<640x128xbf16, #tpu.memory_space<hbm>>) dst(%dma_wait3A_300 : memref<640x128xbf16, #tpu.memory_space<vmem_shared>>)
        tpu.yield
      }) : () -> ()
    } else {
    }
    %mul3A_11 = arith.constant 640 : i32
    %mul3A_12 = arith.muli %arg1, %mul3A_11 : i32
    "tpu.region"() ({
      %run_scoped3A = tpu.sem_alloc : memref<!tpu.dma_semaphore, #tpu.memory_space<semaphore_mem>>
      %dma_start3A_297 = tpu.memref_slice %arg26[%mul3A_12] : memref<10240xf32, #tpu.memory_space<vmem_shared>> -> memref<640xf32, #tpu.memory_space<vmem_shared>>
      tpu.enqueue_dma source(%arg4 : memref<640xf32, #tpu.memory_space<hbm>>) target(%dma_start3A_297 : memref<640xf32, #tpu.memory_space<vmem_shared>>) target_semaphore(%run_scoped3A : memref<!tpu.dma_semaphore, #tpu.memory_space<semaphore_mem>>)
      %dma_wait3A_298 = tpu.memref_slice %arg26[%mul3A_12] : memref<10240xf32, #tpu.memory_space<vmem_shared>> -> memref<640xf32, #tpu.memory_space<vmem_shared>>
      tpu.wait_dma2 semaphore(%run_scoped3A : memref<!tpu.dma_semaphore, #tpu.memory_space<semaphore_mem>>) src(%arg4 : memref<640xf32, #tpu.memory_space<hbm>>) dst(%dma_wait3A_298 : memref<640xf32, #tpu.memory_space<vmem_shared>>)
      tpu.yield
    }) : () -> ()
    %broadcast_in_dim3A = arith.constant 1.000000e+00 : f32
    %broadcast_in_dim3A_13 = vector.broadcast %broadcast_in_dim3A : f32 to vector<16xf32>
    %swap3A = arith.constant 0 : index
    %swap3A_14 = tpu.vector_load %arg11[%swap3A] {strides = array<i32>} : memref<80xf32, #tpu.memory_space<vmem>>, vector<16xf32>,
    %swap3A_15 = vector.shape_cast %swap3A_14 : vector<16xf32> to vector<16xf32>
    %swap3A_16 = vector.shape_cast %broadcast_in_dim3A_13 : vector<16xf32> to vector<16xf32>
    tpu.vector_store %arg11[%swap3A], %swap3A_16 {strides = array<i32>} : memref<80xf32, #tpu.memory_space<vmem>>, vector<16xf32>,
    %swap3A_17 = arith.constant 16 : index
    %swap3A_18 = tpu.vector_load %arg11[%swap3A_17] {strides = array<i32>} : memref<80xf32, #tpu.memory_space<vmem>>, vector<16xf32>,
    %swap3A_19 = vector.shape_cast %swap3A_18 : vector<16xf32> to vector<16xf32>
    %swap3A_20 = vector.shape_cast %broadcast_in_dim3A_13 : vector<16xf32> to vector<16xf32>
    tpu.vector_store %arg11[%swap3A_17], %swap3A_20 {strides = array<i32>} : memref<80xf32, #tpu.memory_space<vmem>>, vector<16xf32>,
    %swap3A_21 = arith.constant 32 : index
    %swap3A_22 = tpu.vector_load %arg11[%swap3A_21] {strides = array<i32>} : memref<80xf32, #tpu.memory_space<vmem>>, vector<16xf32>,
    %swap3A_23 = vector.shape_cast %swap3A_22 : vector<16xf32> to vector<16xf32>
    %swap3A_24 = vector.shape_cast %broadcast_in_dim3A_13 : vector<16xf32> to vector<16xf32>
    tpu.vector_store %arg11[%swap3A_21], %swap3A_24 {strides = array<i32>} : memref<80xf32, #tpu.memory_space<vmem>>, vector<16xf32>,
    %swap3A_25 = arith.constant 48 : index
    %swap3A_26 = tpu.vector_load %arg11[%swap3A_25] {strides = array<i32>} : memref<80xf32, #tpu.memory_space<vmem>>, vector<16xf32>,
    %swap3A_27 = vector.shape_cast %swap3A_26 : vector<16xf32> to vector<16xf32>
    %swap3A_28 = vector.shape_cast %broadcast_in_dim3A_13 : vector<16xf32> to vector<16xf32>
    tpu.vector_store %arg11[%swap3A_25], %swap3A_28 {strides = array<i32>} : memref<80xf32, #tpu.memory_space<vmem>>, vector<16xf32>,
    %swap3A_29 = arith.constant 64 : index
    %swap3A_30 = tpu.vector_load %arg11[%swap3A_29] {strides = array<i32>} : memref<80xf32, #tpu.memory_space<vmem>>, vector<16xf32>,
    %swap3A_31 = vector.shape_cast %swap3A_30 : vector<16xf32> to vector<16xf32>
    %swap3A_32 = vector.shape_cast %broadcast_in_dim3A_13 : vector<16xf32> to vector<16xf32>
    tpu.vector_store %arg11[%swap3A_29], %swap3A_32 {strides = array<i32>} : memref<80xf32, #tpu.memory_space<vmem>>, vector<16xf32>,
    %swap3A_33 = arith.constant 64 : index
    %swap3A_34 = tpu.vector_load %arg11[%swap3A_33] {strides = array<i32>} : memref<80xf32, #tpu.memory_space<vmem>>, vector<16xf32>,
    %swap3A_35 = vector.shape_cast %swap3A_34 : vector<16xf32> to vector<16xf32>
    %swap3A_36 = vector.shape_cast %broadcast_in_dim3A_13 : vector<16xf32> to vector<16xf32>
    tpu.vector_store %arg11[%swap3A_33], %swap3A_36 {strides = array<i32>} : memref<80xf32, #tpu.memory_space<vmem>>, vector<16xf32>,
    "tpu.region"() ({
      %run_scoped3A = tpu.sem_alloc : memref<!tpu.dma_semaphore, #tpu.memory_space<semaphore_mem>>
      %dma_start3A_297 = tpu.memref_slice %arg5[%mul3A_2] : memref<320000xi32, #tpu.memory_space<hbm>> -> memref<10000xi32, #tpu.memory_space<hbm>>
      %dma_start3A_298 = tpu.memref_slice %arg5[%mul3A_2] : memref<320000xi32, #tpu.memory_space<hbm>> -> memref<10000xi32, #tpu.memory_space<hbm>>
      tpu.enqueue_dma source(%dma_start3A_298 : memref<10000xi32, #tpu.memory_space<hbm>>) target(%arg9 : memref<10000xi32, #tpu.memory_space<vmem>>) target_semaphore(%run_scoped3A : memref<!tpu.dma_semaphore, #tpu.memory_space<semaphore_mem>>)
      %dma_wait3A_299 = tpu.memref_slice %arg5[%mul3A_2] : memref<320000xi32, #tpu.memory_space<hbm>> -> memref<10000xi32, #tpu.memory_space<hbm>>
      %dma_wait3A_300 = tpu.memref_slice %arg5[%mul3A_2] : memref<320000xi32, #tpu.memory_space<hbm>> -> memref<10000xi32, #tpu.memory_space<hbm>>
      tpu.wait_dma2 semaphore(%run_scoped3A : memref<!tpu.dma_semaphore, #tpu.memory_space<semaphore_mem>>) src(%dma_wait3A_300 : memref<10000xi32, #tpu.memory_space<hbm>>) dst(%arg9 : memref<10000xi32, #tpu.memory_space<vmem>>)
      tpu.yield
    }) : () -> ()
    "tpu.region"() ({
      %run_scoped3A = tpu.sem_alloc : memref<!tpu.dma_semaphore, #tpu.memory_space<semaphore_mem>>
      %dma_start3A_297 = tpu.memref_slice %arg6[%mul3A_2] : memref<320000xi32, #tpu.memory_space<hbm>> -> memref<10000xi32, #tpu.memory_space<hbm>>
      %dma_start3A_298 = tpu.memref_slice %arg6[%mul3A_2] : memref<320000xi32, #tpu.memory_space<hbm>> -> memref<10000xi32, #tpu.memory_space<hbm>>
      tpu.enqueue_dma source(%dma_start3A_298 : memref<10000xi32, #tpu.memory_space<hbm>>) target(%arg10 : memref<10000xi32, #tpu.memory_space<vmem>>) target_semaphore(%run_scoped3A : memref<!tpu.dma_semaphore, #tpu.memory_space<semaphore_mem>>)
      %dma_wait3A_299 = tpu.memref_slice %arg6[%mul3A_2] : memref<320000xi32, #tpu.memory_space<hbm>> -> memref<10000xi32, #tpu.memory_space<hbm>>
      %dma_wait3A_300 = tpu.memref_slice %arg6[%mul3A_2] : memref<320000xi32, #tpu.memory_space<hbm>> -> memref<10000xi32, #tpu.memory_space<hbm>>
      tpu.wait_dma2 semaphore(%run_scoped3A : memref<!tpu.dma_semaphore, #tpu.memory_space<semaphore_mem>>) src(%dma_wait3A_300 : memref<10000xi32, #tpu.memory_space<hbm>>) dst(%arg10 : memref<10000xi32, #tpu.memory_space<vmem>>)
      tpu.yield
    }) : () -> ()
    %barrier3A = arith.constant 0 : index
    tpu.barrier barrier_id(%barrier3A)
    %dma_start3A = arith.constant 0 : i32
    %dma_start3A_37 = tpu.memref_slice %arg9[%dma_start3A] : memref<10000xi32, #tpu.memory_space<vmem>> -> memref<80xi32, #tpu.memory_space<vmem>>
    %dma_start3A_38 = arith.constant 0 : i32
    %dma_start3A_39 = arith.constant 0 : i32
    %dma_start3A_40 = tpu.memref_slice %arg2[%dma_start3A_38, %dma_start3A_39] : memref<10000x128xbf16, #tpu.memory_space<hbm>> -> memref<10000x128xbf16, #tpu.memory_space<hbm>>
    tpu.enqueue_indirect_dma source(%dma_start3A_40 : memref<10000x128xbf16, #tpu.memory_space<hbm>>) target(%arg12 : memref<80x128xbf16, #tpu.memory_space<vmem>>) offsets(%dma_start3A_37 : memref<80xi32, #tpu.memory_space<vmem>>) semaphore(%arg27 : memref<!tpu.dma_semaphore, #tpu.memory_space<semaphore_mem>>)
    %dma_start3A_41 = arith.constant 80 : i32
    %dma_start3A_42 = tpu.memref_slice %arg9[%dma_start3A_41] : memref<10000xi32, #tpu.memory_space<vmem>> -> memref<80xi32, #tpu.memory_space<vmem>>
    %dma_start3A_43 = arith.constant 0 : i32
    %dma_start3A_44 = arith.constant 0 : i32
    %dma_start3A_45 = tpu.memref_slice %arg2[%dma_start3A_43, %dma_start3A_44] : memref<10000x128xbf16, #tpu.memory_space<hbm>> -> memref<10000x128xbf16, #tpu.memory_space<hbm>>
    tpu.enqueue_indirect_dma source(%dma_start3A_45 : memref<10000x128xbf16, #tpu.memory_space<hbm>>) target(%arg13 : memref<80x128xbf16, #tpu.memory_space<vmem>>) offsets(%dma_start3A_42 : memref<80xi32, #tpu.memory_space<vmem>>) semaphore(%arg28 : memref<!tpu.dma_semaphore, #tpu.memory_space<semaphore_mem>>)
    %dma_start3A_46 = arith.constant 160 : i32
    %dma_start3A_47 = tpu.memref_slice %arg9[%dma_start3A_46] : memref<10000xi32, #tpu.memory_space<vmem>> -> memref<80xi32, #tpu.memory_space<vmem>>
    %dma_start3A_48 = arith.constant 0 : i32
    %dma_start3A_49 = arith.constant 0 : i32
    %dma_start3A_50 = tpu.memref_slice %arg2[%dma_start3A_48, %dma_start3A_49] : memref<10000x128xbf16, #tpu.memory_space<hbm>> -> memref<10000x128xbf16, #tpu.memory_space<hbm>>
    tpu.enqueue_indirect_dma source(%dma_start3A_50 : memref<10000x128xbf16, #tpu.memory_space<hbm>>) target(%arg14 : memref<80x128xbf16, #tpu.memory_space<vmem>>) offsets(%dma_start3A_47 : memref<80xi32, #tpu.memory_space<vmem>>) semaphore(%arg29 : memref<!tpu.dma_semaphore, #tpu.memory_space<semaphore_mem>>)
    %dma_start3A_51 = arith.constant 240 : i32
    %dma_start3A_52 = tpu.memref_slice %arg9[%dma_start3A_51] : memref<10000xi32, #tpu.memory_space<vmem>> -> memref<80xi32, #tpu.memory_space<vmem>>
    %dma_start3A_53 = arith.constant 0 : i32
    %dma_start3A_54 = arith.constant 0 : i32
    %dma_start3A_55 = tpu.memref_slice %arg2[%dma_start3A_53, %dma_start3A_54] : memref<10000x128xbf16, #tpu.memory_space<hbm>> -> memref<10000x128xbf16, #tpu.memory_space<hbm>>
    tpu.enqueue_indirect_dma source(%dma_start3A_55 : memref<10000x128xbf16, #tpu.memory_space<hbm>>) target(%arg15 : memref<80x128xbf16, #tpu.memory_space<vmem>>) offsets(%dma_start3A_52 : memref<80xi32, #tpu.memory_space<vmem>>) semaphore(%arg30 : memref<!tpu.dma_semaphore, #tpu.memory_space<semaphore_mem>>)
    %dma_start3A_56 = arith.constant 320 : i32
    %dma_start3A_57 = tpu.memref_slice %arg9[%dma_start3A_56] : memref<10000xi32, #tpu.memory_space<vmem>> -> memref<80xi32, #tpu.memory_space<vmem>>
    %dma_start3A_58 = arith.constant 0 : i32
    %dma_start3A_59 = arith.constant 0 : i32
    %dma_start3A_60 = tpu.memref_slice %arg2[%dma_start3A_58, %dma_start3A_59] : memref<10000x128xbf16, #tpu.memory_space<hbm>> -> memref<10000x128xbf16, #tpu.memory_space<hbm>>
    tpu.enqueue_indirect_dma source(%dma_start3A_60 : memref<10000x128xbf16, #tpu.memory_space<hbm>>) target(%arg16 : memref<80x128xbf16, #tpu.memory_space<vmem>>) offsets(%dma_start3A_57 : memref<80xi32, #tpu.memory_space<vmem>>) semaphore(%arg31 : memref<!tpu.dma_semaphore, #tpu.memory_space<semaphore_mem>>)
    %dma_start3A_61 = arith.constant 400 : i32
    %dma_start3A_62 = tpu.memref_slice %arg9[%dma_start3A_61] : memref<10000xi32, #tpu.memory_space<vmem>> -> memref<80xi32, #tpu.memory_space<vmem>>
    %dma_start3A_63 = arith.constant 0 : i32
    %dma_start3A_64 = arith.constant 0 : i32
    %dma_start3A_65 = tpu.memref_slice %arg2[%dma_start3A_63, %dma_start3A_64] : memref<10000x128xbf16, #tpu.memory_space<hbm>> -> memref<10000x128xbf16, #tpu.memory_space<hbm>>
    tpu.enqueue_indirect_dma source(%dma_start3A_65 : memref<10000x128xbf16, #tpu.memory_space<hbm>>) target(%arg17 : memref<80x128xbf16, #tpu.memory_space<vmem>>) offsets(%dma_start3A_62 : memref<80xi32, #tpu.memory_space<vmem>>) semaphore(%arg32 : memref<!tpu.dma_semaphore, #tpu.memory_space<semaphore_mem>>)
    %dma_start3A_66 = arith.constant 480 : i32
    %dma_start3A_67 = tpu.memref_slice %arg9[%dma_start3A_66] : memref<10000xi32, #tpu.memory_space<vmem>> -> memref<80xi32, #tpu.memory_space<vmem>>
    %dma_start3A_68 = arith.constant 0 : i32
    %dma_start3A_69 = arith.constant 0 : i32
    %dma_start3A_70 = tpu.memref_slice %arg2[%dma_start3A_68, %dma_start3A_69] : memref<10000x128xbf16, #tpu.memory_space<hbm>> -> memref<10000x128xbf16, #tpu.memory_space<hbm>>
    tpu.enqueue_indirect_dma source(%dma_start3A_70 : memref<10000x128xbf16, #tpu.memory_space<hbm>>) target(%arg18 : memref<80x128xbf16, #tpu.memory_space<vmem>>) offsets(%dma_start3A_67 : memref<80xi32, #tpu.memory_space<vmem>>) semaphore(%arg33 : memref<!tpu.dma_semaphore, #tpu.memory_space<semaphore_mem>>)
    %dma_start3A_71 = arith.constant 560 : i32
    %dma_start3A_72 = tpu.memref_slice %arg9[%dma_start3A_71] : memref<10000xi32, #tpu.memory_space<vmem>> -> memref<80xi32, #tpu.memory_space<vmem>>
    %dma_start3A_73 = arith.constant 0 : i32
    %dma_start3A_74 = arith.constant 0 : i32
    %dma_start3A_75 = tpu.memref_slice %arg2[%dma_start3A_73, %dma_start3A_74] : memref<10000x128xbf16, #tpu.memory_space<hbm>> -> memref<10000x128xbf16, #tpu.memory_space<hbm>>
    tpu.enqueue_indirect_dma source(%dma_start3A_75 : memref<10000x128xbf16, #tpu.memory_space<hbm>>) target(%arg19 : memref<80x128xbf16, #tpu.memory_space<vmem>>) offsets(%dma_start3A_72 : memref<80xi32, #tpu.memory_space<vmem>>) semaphore(%arg34 : memref<!tpu.dma_semaphore, #tpu.memory_space<semaphore_mem>>)
    %scan3A = arith.constant 0 : i32
    %scan3A_76 = arith.constant 0 : i32
    %scan3A_77 = arith.constant 9 : i32
    %scan3A_78 = arith.addi %scan3A_76, %scan3A_77 : i32
    %scan3A_79 = arith.constant 1 : i32
    scf.for %scan3A_297 = %scan3A_76 to %scan3A_78 step %scan3A_79  : i32 {
      %mul3A_298 = arith.constant 13 : i32
      %mul3A_299 = arith.muli %scan3A_297, %mul3A_298 : i32
      %add3A_300 = arith.constant 0 : i32
      %add3A_301 = arith.addi %mul3A_299, %add3A_300 : i32
      %dma_wait3A_302 = arith.constant 0 : i32
      %dma_wait3A_303 = arith.constant 0 : i32
      %dma_wait3A_304 = tpu.memref_slice %arg2[%dma_wait3A_302, %dma_wait3A_303] : memref<10000x128xbf16, #tpu.memory_space<hbm>> -> memref<80x128xbf16, #tpu.memory_space<hbm>>
      %dma_wait3A_305 = arith.constant 0 : i32
      %dma_wait3A_306 = arith.constant 0 : i32
      %dma_wait3A_307 = tpu.memref_slice %arg2[%dma_wait3A_305, %dma_wait3A_306] : memref<10000x128xbf16, #tpu.memory_space<hbm>> -> memref<80x128xbf16, #tpu.memory_space<hbm>>
      tpu.wait_dma2 semaphore(%arg27 : memref<!tpu.dma_semaphore, #tpu.memory_space<semaphore_mem>>) src(%dma_wait3A_307 : memref<80x128xbf16, #tpu.memory_space<hbm>>) dst(%arg12 : memref<80x128xbf16, #tpu.memory_space<vmem>>)
      %mul3A_308 = arith.constant 80 : i32
      %mul3A_309 = arith.muli %add3A_301, %mul3A_308 : i32
      %dma_start3A_310 = tpu.memref_slice %arg10[%mul3A_309] : memref<10000xi32, #tpu.memory_space<vmem>> -> memref<80xi32, #tpu.memory_space<vmem>>
      %dma_start3A_311 = arith.constant 0 : i32
      %dma_start3A_312 = arith.constant 0 : i32
      %dma_start3A_313 = tpu.memref_slice %arg25[%dma_start3A_311, %dma_start3A_312] : memref<10000x128xbf16, #tpu.memory_space<vmem_shared>> -> memref<10000x128xbf16, #tpu.memory_space<vmem_shared>>
      tpu.enqueue_indirect_dma source(%arg12 : memref<80x128xbf16, #tpu.memory_space<vmem>>) target(%dma_start3A_313 : memref<10000x128xbf16, #tpu.memory_space<vmem_shared>>) offsets(%dma_start3A_310 : memref<80xi32, #tpu.memory_space<vmem>>) semaphore(%arg40 : memref<!tpu.dma_semaphore, #tpu.memory_space<semaphore_mem>>) {add = true}
      %dma_start3A_314 = tpu.memref_slice %arg10[%mul3A_309] : memref<10000xi32, #tpu.memory_space<vmem>> -> memref<80xi32, #tpu.memory_space<vmem>>
      %dma_start3A_315 = arith.constant 0 : i32
      %dma_start3A_316 = tpu.memref_slice %arg26[%dma_start3A_315] : memref<10240xf32, #tpu.memory_space<vmem_shared>> -> memref<10240xf32, #tpu.memory_space<vmem_shared>>
      tpu.enqueue_indirect_dma source(%arg11 : memref<80xf32, #tpu.memory_space<vmem>>) target(%dma_start3A_316 : memref<10240xf32, #tpu.memory_space<vmem_shared>>) offsets(%dma_start3A_314 : memref<80xi32, #tpu.memory_space<vmem>>) semaphore(%arg53 : memref<!tpu.dma_semaphore, #tpu.memory_space<semaphore_mem>>) {add = true}
      %add3A_317 = arith.constant 8 : i32
      %add3A_318 = arith.addi %add3A_301, %add3A_317 : i32
      %lt3A_319 = arith.constant 125 : i32
      %lt3A_320 = arith.cmpi slt, %add3A_318, %lt3A_319 : i32
      %ge3A = arith.constant 5 : i32
      %ge3A_321 = arith.cmpi sge, %add3A_301, %ge3A : i32
      %and3A = arith.andi %lt3A_320, %ge3A_321 : i1
      %convert_element_type3A_322 = arith.extui %and3A : i1 to i32
      %cond3A_323 = arith.constant 0 : i32
      %cond3A_324 = arith.cmpi ne, %convert_element_type3A_322, %cond3A_323 : i32
      scf.if %cond3A_324 {
        %dma_wait3A_777 = arith.constant 0 : i32
        %dma_wait3A_778 = arith.constant 0 : i32
        %dma_wait3A_779 = tpu.memref_slice %arg2[%dma_wait3A_777, %dma_wait3A_778] : memref<10000x128xbf16, #tpu.memory_space<hbm>> -> memref<80x128xbf16, #tpu.memory_space<hbm>>
        %dma_wait3A_780 = arith.constant 0 : i32
        %dma_wait3A_781 = arith.constant 0 : i32
        %dma_wait3A_782 = tpu.memref_slice %arg2[%dma_wait3A_780, %dma_wait3A_781] : memref<10000x128xbf16, #tpu.memory_space<hbm>> -> memref<80x128xbf16, #tpu.memory_space<hbm>>
        tpu.wait_dma2 semaphore(%arg48 : memref<!tpu.dma_semaphore, #tpu.memory_space<semaphore_mem>>) src(%dma_wait3A_782 : memref<80x128xbf16, #tpu.memory_space<hbm>>) dst(%arg12 : memref<80x128xbf16, #tpu.memory_space<vmem>>)
        %mul3A_783 = arith.constant 80 : i32
        %mul3A_784 = arith.muli %add3A_318, %mul3A_783 : i32
        %dma_start3A_785 = tpu.memref_slice %arg9[%mul3A_784] : memref<10000xi32, #tpu.memory_space<vmem>> -> memref<80xi32, #tpu.memory_space<vmem>>
        %dma_start3A_786 = arith.constant 0 : i32
        %dma_start3A_787 = arith.constant 0 : i32
        %dma_start3A_788 = tpu.memref_slice %arg2[%dma_start3A_786, %dma_start3A_787] : memref<10000x128xbf16, #tpu.memory_space<hbm>> -> memref<10000x128xbf16, #tpu.memory_space<hbm>>
        tpu.enqueue_indirect_dma source(%dma_start3A_788 : memref<10000x128xbf16, #tpu.memory_space<hbm>>) target(%arg20 : memref<80x128xbf16, #tpu.memory_space<vmem>>) offsets(%dma_start3A_785 : memref<80xi32, #tpu.memory_space<vmem>>) semaphore(%arg35 : memref<!tpu.dma_semaphore, #tpu.memory_space<semaphore_mem>>)
      } else {
      }
      %lt3A_325 = arith.constant 125 : i32
      %lt3A_326 = arith.cmpi slt, %add3A_318, %lt3A_325 : i32
      %lt3A_327 = arith.constant 5 : i32
      %lt3A_328 = arith.cmpi slt, %add3A_301, %lt3A_327 : i32
      %and3A_329 = arith.andi %lt3A_326, %lt3A_328 : i1
      %convert_element_type3A_330 = arith.extui %and3A_329 : i1 to i32
      %cond3A_331 = arith.constant 0 : i32
      %cond3A_332 = arith.cmpi ne, %convert_element_type3A_330, %cond3A_331 : i32
      scf.if %cond3A_332 {
        %mul3A_777 = arith.constant 80 : i32
        %mul3A_778 = arith.muli %add3A_318, %mul3A_777 : i32
        %dma_start3A_779 = tpu.memref_slice %arg9[%mul3A_778] : memref<10000xi32, #tpu.memory_space<vmem>> -> memref<80xi32, #tpu.memory_space<vmem>>
        %dma_start3A_780 = arith.constant 0 : i32
        %dma_start3A_781 = arith.constant 0 : i32
        %dma_start3A_782 = tpu.memref_slice %arg2[%dma_start3A_780, %dma_start3A_781] : memref<10000x128xbf16, #tpu.memory_space<hbm>> -> memref<10000x128xbf16, #tpu.memory_space<hbm>>
        tpu.enqueue_indirect_dma source(%dma_start3A_782 : memref<10000x128xbf16, #tpu.memory_space<hbm>>) target(%arg20 : memref<80x128xbf16, #tpu.memory_space<vmem>>) offsets(%dma_start3A_779 : memref<80xi32, #tpu.memory_space<vmem>>) semaphore(%arg35 : memref<!tpu.dma_semaphore, #tpu.memory_space<semaphore_mem>>)
      } else {
      }
      %mul3A_333 = arith.constant 13 : i32
      %mul3A_334 = arith.muli %scan3A_297, %mul3A_333 : i32
      %add3A_335 = arith.constant 1 : i32
      %add3A_336 = arith.addi %mul3A_334, %add3A_335 : i32
      %dma_wait3A_337 = arith.constant 0 : i32
      %dma_wait3A_338 = arith.constant 0 : i32
      %dma_wait3A_339 = tpu.memref_slice %arg2[%dma_wait3A_337, %dma_wait3A_338] : memref<10000x128xbf16, #tpu.memory_space<hbm>> -> memref<80x128xbf16, #tpu.memory_space<hbm>>
      %dma_wait3A_340 = arith.constant 0 : i32
      %dma_wait3A_341 = arith.constant 0 : i32
      %dma_wait3A_342 = tpu.memref_slice %arg2[%dma_wait3A_340, %dma_wait3A_341] : memref<10000x128xbf16, #tpu.memory_space<hbm>> -> memref<80x128xbf16, #tpu.memory_space<hbm>>
      tpu.wait_dma2 semaphore(%arg28 : memref<!tpu.dma_semaphore, #tpu.memory_space<semaphore_mem>>) src(%dma_wait3A_342 : memref<80x128xbf16, #tpu.memory_space<hbm>>) dst(%arg12 : memref<80x128xbf16, #tpu.memory_space<vmem>>)
      %mul3A_343 = arith.constant 80 : i32
      %mul3A_344 = arith.muli %add3A_336, %mul3A_343 : i32
      %dma_start3A_345 = tpu.memref_slice %arg10[%mul3A_344] : memref<10000xi32, #tpu.memory_space<vmem>> -> memref<80xi32, #tpu.memory_space<vmem>>
      %dma_start3A_346 = arith.constant 0 : i32
      %dma_start3A_347 = arith.constant 0 : i32
      %dma_start3A_348 = tpu.memref_slice %arg25[%dma_start3A_346, %dma_start3A_347] : memref<10000x128xbf16, #tpu.memory_space<vmem_shared>> -> memref<10000x128xbf16, #tpu.memory_space<vmem_shared>>
      tpu.enqueue_indirect_dma source(%arg13 : memref<80x128xbf16, #tpu.memory_space<vmem>>) target(%dma_start3A_348 : memref<10000x128xbf16, #tpu.memory_space<vmem_shared>>) offsets(%dma_start3A_345 : memref<80xi32, #tpu.memory_space<vmem>>) semaphore(%arg41 : memref<!tpu.dma_semaphore, #tpu.memory_space<semaphore_mem>>) {add = true}
      %dma_start3A_349 = tpu.memref_slice %arg10[%mul3A_344] : memref<10000xi32, #tpu.memory_space<vmem>> -> memref<80xi32, #tpu.memory_space<vmem>>
      %dma_start3A_350 = arith.constant 0 : i32
      %dma_start3A_351 = tpu.memref_slice %arg26[%dma_start3A_350] : memref<10240xf32, #tpu.memory_space<vmem_shared>> -> memref<10240xf32, #tpu.memory_space<vmem_shared>>
      tpu.enqueue_indirect_dma source(%arg11 : memref<80xf32, #tpu.memory_space<vmem>>) target(%dma_start3A_351 : memref<10240xf32, #tpu.memory_space<vmem_shared>>) offsets(%dma_start3A_349 : memref<80xi32, #tpu.memory_space<vmem>>) semaphore(%arg53 : memref<!tpu.dma_semaphore, #tpu.memory_space<semaphore_mem>>) {add = true}
      %add3A_352 = arith.constant 8 : i32
      %add3A_353 = arith.addi %add3A_336, %add3A_352 : i32
      %lt3A_354 = arith.constant 125 : i32
      %lt3A_355 = arith.cmpi slt, %add3A_353, %lt3A_354 : i32
      %ge3A_356 = arith.constant 5 : i32
      %ge3A_357 = arith.cmpi sge, %add3A_336, %ge3A_356 : i32
      %and3A_358 = arith.andi %lt3A_355, %ge3A_357 : i1
      %convert_element_type3A_359 = arith.extui %and3A_358 : i1 to i32
      %cond3A_360 = arith.constant 0 : i32
      %cond3A_361 = arith.cmpi ne, %convert_element_type3A_359, %cond3A_360 : i32
      scf.if %cond3A_361 {
        %dma_wait3A_777 = arith.constant 0 : i32
        %dma_wait3A_778 = arith.constant 0 : i32
        %dma_wait3A_779 = tpu.memref_slice %arg2[%dma_wait3A_777, %dma_wait3A_778] : memref<10000x128xbf16, #tpu.memory_space<hbm>> -> memref<80x128xbf16, #tpu.memory_space<hbm>>
        %dma_wait3A_780 = arith.constant 0 : i32
        %dma_wait3A_781 = arith.constant 0 : i32
        %dma_wait3A_782 = tpu.memref_slice %arg2[%dma_wait3A_780, %dma_wait3A_781] : memref<10000x128xbf16, #tpu.memory_space<hbm>> -> memref<80x128xbf16, #tpu.memory_space<hbm>>
        tpu.wait_dma2 semaphore(%arg49 : memref<!tpu.dma_semaphore, #tpu.memory_space<semaphore_mem>>) src(%dma_wait3A_782 : memref<80x128xbf16, #tpu.memory_space<hbm>>) dst(%arg12 : memref<80x128xbf16, #tpu.memory_space<vmem>>)
        %mul3A_783 = arith.constant 80 : i32
        %mul3A_784 = arith.muli %add3A_353, %mul3A_783 : i32
        %dma_start3A_785 = tpu.memref_slice %arg9[%mul3A_784] : memref<10000xi32, #tpu.memory_space<vmem>> -> memref<80xi32, #tpu.memory_space<vmem>>
        %dma_start3A_786 = arith.constant 0 : i32
        %dma_start3A_787 = arith.constant 0 : i32
        %dma_start3A_788 = tpu.memref_slice %arg2[%dma_start3A_786, %dma_start3A_787] : memref<10000x128xbf16, #tpu.memory_space<hbm>> -> memref<10000x128xbf16, #tpu.memory_space<hbm>>
        tpu.enqueue_indirect_dma source(%dma_start3A_788 : memref<10000x128xbf16, #tpu.memory_space<hbm>>) target(%arg21 : memref<80x128xbf16, #tpu.memory_space<vmem>>) offsets(%dma_start3A_785 : memref<80xi32, #tpu.memory_space<vmem>>) semaphore(%arg36 : memref<!tpu.dma_semaphore, #tpu.memory_space<semaphore_mem>>)
      } else {
      }
      %lt3A_362 = arith.constant 125 : i32
      %lt3A_363 = arith.cmpi slt, %add3A_353, %lt3A_362 : i32
      %lt3A_364 = arith.constant 5 : i32
      %lt3A_365 = arith.cmpi slt, %add3A_336, %lt3A_364 : i32
      %and3A_366 = arith.andi %lt3A_363, %lt3A_365 : i1
      %convert_element_type3A_367 = arith.extui %and3A_366 : i1 to i32
      %cond3A_368 = arith.constant 0 : i32
      %cond3A_369 = arith.cmpi ne, %convert_element_type3A_367, %cond3A_368 : i32
      scf.if %cond3A_369 {
        %mul3A_777 = arith.constant 80 : i32
        %mul3A_778 = arith.muli %add3A_353, %mul3A_777 : i32
        %dma_start3A_779 = tpu.memref_slice %arg9[%mul3A_778] : memref<10000xi32, #tpu.memory_space<vmem>> -> memref<80xi32, #tpu.memory_space<vmem>>
        %dma_start3A_780 = arith.constant 0 : i32
        %dma_start3A_781 = arith.constant 0 : i32
        %dma_start3A_782 = tpu.memref_slice %arg2[%dma_start3A_780, %dma_start3A_781] : memref<10000x128xbf16, #tpu.memory_space<hbm>> -> memref<10000x128xbf16, #tpu.memory_space<hbm>>
        tpu.enqueue_indirect_dma source(%dma_start3A_782 : memref<10000x128xbf16, #tpu.memory_space<hbm>>) target(%arg21 : memref<80x128xbf16, #tpu.memory_space<vmem>>) offsets(%dma_start3A_779 : memref<80xi32, #tpu.memory_space<vmem>>) semaphore(%arg36 : memref<!tpu.dma_semaphore, #tpu.memory_space<semaphore_mem>>)
      } else {
      }
      %mul3A_370 = arith.constant 13 : i32
      %mul3A_371 = arith.muli %scan3A_297, %mul3A_370 : i32
      %add3A_372 = arith.constant 2 : i32
      %add3A_373 = arith.addi %mul3A_371, %add3A_372 : i32
      %dma_wait3A_374 = arith.constant 0 : i32
      %dma_wait3A_375 = arith.constant 0 : i32
      %dma_wait3A_376 = tpu.memref_slice %arg2[%dma_wait3A_374, %dma_wait3A_375] : memref<10000x128xbf16, #tpu.memory_space<hbm>> -> memref<80x128xbf16, #tpu.memory_space<hbm>>
      %dma_wait3A_377 = arith.constant 0 : i32
      %dma_wait3A_378 = arith.constant 0 : i32
      %dma_wait3A_379 = tpu.memref_slice %arg2[%dma_wait3A_377, %dma_wait3A_378] : memref<10000x128xbf16, #tpu.memory_space<hbm>> -> memref<80x128xbf16, #tpu.memory_space<hbm>>
      tpu.wait_dma2 semaphore(%arg29 : memref<!tpu.dma_semaphore, #tpu.memory_space<semaphore_mem>>) src(%dma_wait3A_379 : memref<80x128xbf16, #tpu.memory_space<hbm>>) dst(%arg12 : memref<80x128xbf16, #tpu.memory_space<vmem>>)
      %mul3A_380 = arith.constant 80 : i32
      %mul3A_381 = arith.muli %add3A_373, %mul3A_380 : i32
      %dma_start3A_382 = tpu.memref_slice %arg10[%mul3A_381] : memref<10000xi32, #tpu.memory_space<vmem>> -> memref<80xi32, #tpu.memory_space<vmem>>
      %dma_start3A_383 = arith.constant 0 : i32
      %dma_start3A_384 = arith.constant 0 : i32
      %dma_start3A_385 = tpu.memref_slice %arg25[%dma_start3A_383, %dma_start3A_384] : memref<10000x128xbf16, #tpu.memory_space<vmem_shared>> -> memref<10000x128xbf16, #tpu.memory_space<vmem_shared>>
      tpu.enqueue_indirect_dma source(%arg14 : memref<80x128xbf16, #tpu.memory_space<vmem>>) target(%dma_start3A_385 : memref<10000x128xbf16, #tpu.memory_space<vmem_shared>>) offsets(%dma_start3A_382 : memref<80xi32, #tpu.memory_space<vmem>>) semaphore(%arg42 : memref<!tpu.dma_semaphore, #tpu.memory_space<semaphore_mem>>) {add = true}
      %dma_start3A_386 = tpu.memref_slice %arg10[%mul3A_381] : memref<10000xi32, #tpu.memory_space<vmem>> -> memref<80xi32, #tpu.memory_space<vmem>>
      %dma_start3A_387 = arith.constant 0 : i32
      %dma_start3A_388 = tpu.memref_slice %arg26[%dma_start3A_387] : memref<10240xf32, #tpu.memory_space<vmem_shared>> -> memref<10240xf32, #tpu.memory_space<vmem_shared>>
      tpu.enqueue_indirect_dma source(%arg11 : memref<80xf32, #tpu.memory_space<vmem>>) target(%dma_start3A_388 : memref<10240xf32, #tpu.memory_space<vmem_shared>>) offsets(%dma_start3A_386 : memref<80xi32, #tpu.memory_space<vmem>>) semaphore(%arg53 : memref<!tpu.dma_semaphore, #tpu.memory_space<semaphore_mem>>) {add = true}
      %add3A_389 = arith.constant 8 : i32
      %add3A_390 = arith.addi %add3A_373, %add3A_389 : i32
      %lt3A_391 = arith.constant 125 : i32
      %lt3A_392 = arith.cmpi slt, %add3A_390, %lt3A_391 : i32
      %ge3A_393 = arith.constant 5 : i32
      %ge3A_394 = arith.cmpi sge, %add3A_373, %ge3A_393 : i32
      %and3A_395 = arith.andi %lt3A_392, %ge3A_394 : i1
      %convert_element_type3A_396 = arith.extui %and3A_395 : i1 to i32
      %cond3A_397 = arith.constant 0 : i32
      %cond3A_398 = arith.cmpi ne, %convert_element_type3A_396, %cond3A_397 : i32
      scf.if %cond3A_398 {
        %dma_wait3A_777 = arith.constant 0 : i32
        %dma_wait3A_778 = arith.constant 0 : i32
        %dma_wait3A_779 = tpu.memref_slice %arg2[%dma_wait3A_777, %dma_wait3A_778] : memref<10000x128xbf16, #tpu.memory_space<hbm>> -> memref<80x128xbf16, #tpu.memory_space<hbm>>
        %dma_wait3A_780 = arith.constant 0 : i32
        %dma_wait3A_781 = arith.constant 0 : i32
        %dma_wait3A_782 = tpu.memref_slice %arg2[%dma_wait3A_780, %dma_wait3A_781] : memref<10000x128xbf16, #tpu.memory_space<hbm>> -> memref<80x128xbf16, #tpu.memory_space<hbm>>
        tpu.wait_dma2 semaphore(%arg50 : memref<!tpu.dma_semaphore, #tpu.memory_space<semaphore_mem>>) src(%dma_wait3A_782 : memref<80x128xbf16, #tpu.memory_space<hbm>>) dst(%arg12 : memref<80x128xbf16, #tpu.memory_space<vmem>>)
        %mul3A_783 = arith.constant 80 : i32
        %mul3A_784 = arith.muli %add3A_390, %mul3A_783 : i32
        %dma_start3A_785 = tpu.memref_slice %arg9[%mul3A_784] : memref<10000xi32, #tpu.memory_space<vmem>> -> memref<80xi32, #tpu.memory_space<vmem>>
        %dma_start3A_786 = arith.constant 0 : i32
        %dma_start3A_787 = arith.constant 0 : i32
        %dma_start3A_788 = tpu.memref_slice %arg2[%dma_start3A_786, %dma_start3A_787] : memref<10000x128xbf16, #tpu.memory_space<hbm>> -> memref<10000x128xbf16, #tpu.memory_space<hbm>>
        tpu.enqueue_indirect_dma source(%dma_start3A_788 : memref<10000x128xbf16, #tpu.memory_space<hbm>>) target(%arg22 : memref<80x128xbf16, #tpu.memory_space<vmem>>) offsets(%dma_start3A_785 : memref<80xi32, #tpu.memory_space<vmem>>) semaphore(%arg37 : memref<!tpu.dma_semaphore, #tpu.memory_space<semaphore_mem>>)
      } else {
      }
      %lt3A_399 = arith.constant 125 : i32
      %lt3A_400 = arith.cmpi slt, %add3A_390, %lt3A_399 : i32
      %lt3A_401 = arith.constant 5 : i32
      %lt3A_402 = arith.cmpi slt, %add3A_373, %lt3A_401 : i32
      %and3A_403 = arith.andi %lt3A_400, %lt3A_402 : i1
      %convert_element_type3A_404 = arith.extui %and3A_403 : i1 to i32
      %cond3A_405 = arith.constant 0 : i32
      %cond3A_406 = arith.cmpi ne, %convert_element_type3A_404, %cond3A_405 : i32
      scf.if %cond3A_406 {
        %mul3A_777 = arith.constant 80 : i32
        %mul3A_778 = arith.muli %add3A_390, %mul3A_777 : i32
        %dma_start3A_779 = tpu.memref_slice %arg9[%mul3A_778] : memref<10000xi32, #tpu.memory_space<vmem>> -> memref<80xi32, #tpu.memory_space<vmem>>
        %dma_start3A_780 = arith.constant 0 : i32
        %dma_start3A_781 = arith.constant 0 : i32
        %dma_start3A_782 = tpu.memref_slice %arg2[%dma_start3A_780, %dma_start3A_781] : memref<10000x128xbf16, #tpu.memory_space<hbm>> -> memref<10000x128xbf16, #tpu.memory_space<hbm>>
        tpu.enqueue_indirect_dma source(%dma_start3A_782 : memref<10000x128xbf16, #tpu.memory_space<hbm>>) target(%arg22 : memref<80x128xbf16, #tpu.memory_space<vmem>>) offsets(%dma_start3A_779 : memref<80xi32, #tpu.memory_space<vmem>>) semaphore(%arg37 : memref<!tpu.dma_semaphore, #tpu.memory_space<semaphore_mem>>)
      } else {
      }
      %mul3A_407 = arith.constant 13 : i32
      %mul3A_408 = arith.muli %scan3A_297, %mul3A_407 : i32
      %add3A_409 = arith.constant 3 : i32
      %add3A_410 = arith.addi %mul3A_408, %add3A_409 : i32
      %dma_wait3A_411 = arith.constant 0 : i32
      %dma_wait3A_412 = arith.constant 0 : i32
      %dma_wait3A_413 = tpu.memref_slice %arg2[%dma_wait3A_411, %dma_wait3A_412] : memref<10000x128xbf16, #tpu.memory_space<hbm>> -> memref<80x128xbf16, #tpu.memory_space<hbm>>
      %dma_wait3A_414 = arith.constant 0 : i32
      %dma_wait3A_415 = arith.constant 0 : i32
      %dma_wait3A_416 = tpu.memref_slice %arg2[%dma_wait3A_414, %dma_wait3A_415] : memref<10000x128xbf16, #tpu.memory_space<hbm>> -> memref<80x128xbf16, #tpu.memory_space<hbm>>
      tpu.wait_dma2 semaphore(%arg30 : memref<!tpu.dma_semaphore, #tpu.memory_space<semaphore_mem>>) src(%dma_wait3A_416 : memref<80x128xbf16, #tpu.memory_space<hbm>>) dst(%arg12 : memref<80x128xbf16, #tpu.memory_space<vmem>>)
      %mul3A_417 = arith.constant 80 : i32
      %mul3A_418 = arith.muli %add3A_410, %mul3A_417 : i32
      %dma_start3A_419 = tpu.memref_slice %arg10[%mul3A_418] : memref<10000xi32, #tpu.memory_space<vmem>> -> memref<80xi32, #tpu.memory_space<vmem>>
      %dma_start3A_420 = arith.constant 0 : i32
      %dma_start3A_421 = arith.constant 0 : i32
      %dma_start3A_422 = tpu.memref_slice %arg25[%dma_start3A_420, %dma_start3A_421] : memref<10000x128xbf16, #tpu.memory_space<vmem_shared>> -> memref<10000x128xbf16, #tpu.memory_space<vmem_shared>>
      tpu.enqueue_indirect_dma source(%arg15 : memref<80x128xbf16, #tpu.memory_space<vmem>>) target(%dma_start3A_422 : memref<10000x128xbf16, #tpu.memory_space<vmem_shared>>) offsets(%dma_start3A_419 : memref<80xi32, #tpu.memory_space<vmem>>) semaphore(%arg43 : memref<!tpu.dma_semaphore, #tpu.memory_space<semaphore_mem>>) {add = true}
      %dma_start3A_423 = tpu.memref_slice %arg10[%mul3A_418] : memref<10000xi32, #tpu.memory_space<vmem>> -> memref<80xi32, #tpu.memory_space<vmem>>
      %dma_start3A_424 = arith.constant 0 : i32
      %dma_start3A_425 = tpu.memref_slice %arg26[%dma_start3A_424] : memref<10240xf32, #tpu.memory_space<vmem_shared>> -> memref<10240xf32, #tpu.memory_space<vmem_shared>>
      tpu.enqueue_indirect_dma source(%arg11 : memref<80xf32, #tpu.memory_space<vmem>>) target(%dma_start3A_425 : memref<10240xf32, #tpu.memory_space<vmem_shared>>) offsets(%dma_start3A_423 : memref<80xi32, #tpu.memory_space<vmem>>) semaphore(%arg53 : memref<!tpu.dma_semaphore, #tpu.memory_space<semaphore_mem>>) {add = true}
      %add3A_426 = arith.constant 8 : i32
      %add3A_427 = arith.addi %add3A_410, %add3A_426 : i32
      %lt3A_428 = arith.constant 125 : i32
      %lt3A_429 = arith.cmpi slt, %add3A_427, %lt3A_428 : i32
      %ge3A_430 = arith.constant 5 : i32
      %ge3A_431 = arith.cmpi sge, %add3A_410, %ge3A_430 : i32
      %and3A_432 = arith.andi %lt3A_429, %ge3A_431 : i1
      %convert_element_type3A_433 = arith.extui %and3A_432 : i1 to i32
      %cond3A_434 = arith.constant 0 : i32
      %cond3A_435 = arith.cmpi ne, %convert_element_type3A_433, %cond3A_434 : i32
      scf.if %cond3A_435 {
        %dma_wait3A_777 = arith.constant 0 : i32
        %dma_wait3A_778 = arith.constant 0 : i32
        %dma_wait3A_779 = tpu.memref_slice %arg2[%dma_wait3A_777, %dma_wait3A_778] : memref<10000x128xbf16, #tpu.memory_space<hbm>> -> memref<80x128xbf16, #tpu.memory_space<hbm>>
        %dma_wait3A_780 = arith.constant 0 : i32
        %dma_wait3A_781 = arith.constant 0 : i32
        %dma_wait3A_782 = tpu.memref_slice %arg2[%dma_wait3A_780, %dma_wait3A_781] : memref<10000x128xbf16, #tpu.memory_space<hbm>> -> memref<80x128xbf16, #tpu.memory_space<hbm>>
        tpu.wait_dma2 semaphore(%arg51 : memref<!tpu.dma_semaphore, #tpu.memory_space<semaphore_mem>>) src(%dma_wait3A_782 : memref<80x128xbf16, #tpu.memory_space<hbm>>) dst(%arg12 : memref<80x128xbf16, #tpu.memory_space<vmem>>)
        %mul3A_783 = arith.constant 80 : i32
        %mul3A_784 = arith.muli %add3A_427, %mul3A_783 : i32
        %dma_start3A_785 = tpu.memref_slice %arg9[%mul3A_784] : memref<10000xi32, #tpu.memory_space<vmem>> -> memref<80xi32, #tpu.memory_space<vmem>>
        %dma_start3A_786 = arith.constant 0 : i32
        %dma_start3A_787 = arith.constant 0 : i32
        %dma_start3A_788 = tpu.memref_slice %arg2[%dma_start3A_786, %dma_start3A_787] : memref<10000x128xbf16, #tpu.memory_space<hbm>> -> memref<10000x128xbf16, #tpu.memory_space<hbm>>
        tpu.enqueue_indirect_dma source(%dma_start3A_788 : memref<10000x128xbf16, #tpu.memory_space<hbm>>) target(%arg23 : memref<80x128xbf16, #tpu.memory_space<vmem>>) offsets(%dma_start3A_785 : memref<80xi32, #tpu.memory_space<vmem>>) semaphore(%arg38 : memref<!tpu.dma_semaphore, #tpu.memory_space<semaphore_mem>>)
      } else {
      }
      %lt3A_436 = arith.constant 125 : i32
      %lt3A_437 = arith.cmpi slt, %add3A_427, %lt3A_436 : i32
      %lt3A_438 = arith.constant 5 : i32
      %lt3A_439 = arith.cmpi slt, %add3A_410, %lt3A_438 : i32
      %and3A_440 = arith.andi %lt3A_437, %lt3A_439 : i1
      %convert_element_type3A_441 = arith.extui %and3A_440 : i1 to i32
      %cond3A_442 = arith.constant 0 : i32
      %cond3A_443 = arith.cmpi ne, %convert_element_type3A_441, %cond3A_442 : i32
      scf.if %cond3A_443 {
        %mul3A_777 = arith.constant 80 : i32
        %mul3A_778 = arith.muli %add3A_427, %mul3A_777 : i32
        %dma_start3A_779 = tpu.memref_slice %arg9[%mul3A_778] : memref<10000xi32, #tpu.memory_space<vmem>> -> memref<80xi32, #tpu.memory_space<vmem>>
        %dma_start3A_780 = arith.constant 0 : i32
        %dma_start3A_781 = arith.constant 0 : i32
        %dma_start3A_782 = tpu.memref_slice %arg2[%dma_start3A_780, %dma_start3A_781] : memref<10000x128xbf16, #tpu.memory_space<hbm>> -> memref<10000x128xbf16, #tpu.memory_space<hbm>>
        tpu.enqueue_indirect_dma source(%dma_start3A_782 : memref<10000x128xbf16, #tpu.memory_space<hbm>>) target(%arg23 : memref<80x128xbf16, #tpu.memory_space<vmem>>) offsets(%dma_start3A_779 : memref<80xi32, #tpu.memory_space<vmem>>) semaphore(%arg38 : memref<!tpu.dma_semaphore, #tpu.memory_space<semaphore_mem>>)
      } else {
      }
      %mul3A_444 = arith.constant 13 : i32
      %mul3A_445 = arith.muli %scan3A_297, %mul3A_444 : i32
      %add3A_446 = arith.constant 4 : i32
      %add3A_447 = arith.addi %mul3A_445, %add3A_446 : i32
      %dma_wait3A_448 = arith.constant 0 : i32
      %dma_wait3A_449 = arith.constant 0 : i32
      %dma_wait3A_450 = tpu.memref_slice %arg2[%dma_wait3A_448, %dma_wait3A_449] : memref<10000x128xbf16, #tpu.memory_space<hbm>> -> memref<80x128xbf16, #tpu.memory_space<hbm>>
      %dma_wait3A_451 = arith.constant 0 : i32
      %dma_wait3A_452 = arith.constant 0 : i32
      %dma_wait3A_453 = tpu.memref_slice %arg2[%dma_wait3A_451, %dma_wait3A_452] : memref<10000x128xbf16, #tpu.memory_space<hbm>> -> memref<80x128xbf16, #tpu.memory_space<hbm>>
      tpu.wait_dma2 semaphore(%arg31 : memref<!tpu.dma_semaphore, #tpu.memory_space<semaphore_mem>>) src(%dma_wait3A_453 : memref<80x128xbf16, #tpu.memory_space<hbm>>) dst(%arg12 : memref<80x128xbf16, #tpu.memory_space<vmem>>)
      %mul3A_454 = arith.constant 80 : i32
      %mul3A_455 = arith.muli %add3A_447, %mul3A_454 : i32
      %dma_start3A_456 = tpu.memref_slice %arg10[%mul3A_455] : memref<10000xi32, #tpu.memory_space<vmem>> -> memref<80xi32, #tpu.memory_space<vmem>>
      %dma_start3A_457 = arith.constant 0 : i32
      %dma_start3A_458 = arith.constant 0 : i32
      %dma_start3A_459 = tpu.memref_slice %arg25[%dma_start3A_457, %dma_start3A_458] : memref<10000x128xbf16, #tpu.memory_space<vmem_shared>> -> memref<10000x128xbf16, #tpu.memory_space<vmem_shared>>
      tpu.enqueue_indirect_dma source(%arg16 : memref<80x128xbf16, #tpu.memory_space<vmem>>) target(%dma_start3A_459 : memref<10000x128xbf16, #tpu.memory_space<vmem_shared>>) offsets(%dma_start3A_456 : memref<80xi32, #tpu.memory_space<vmem>>) semaphore(%arg44 : memref<!tpu.dma_semaphore, #tpu.memory_space<semaphore_mem>>) {add = true}
      %dma_start3A_460 = tpu.memref_slice %arg10[%mul3A_455] : memref<10000xi32, #tpu.memory_space<vmem>> -> memref<80xi32, #tpu.memory_space<vmem>>
      %dma_start3A_461 = arith.constant 0 : i32
      %dma_start3A_462 = tpu.memref_slice %arg26[%dma_start3A_461] : memref<10240xf32, #tpu.memory_space<vmem_shared>> -> memref<10240xf32, #tpu.memory_space<vmem_shared>>
      tpu.enqueue_indirect_dma source(%arg11 : memref<80xf32, #tpu.memory_space<vmem>>) target(%dma_start3A_462 : memref<10240xf32, #tpu.memory_space<vmem_shared>>) offsets(%dma_start3A_460 : memref<80xi32, #tpu.memory_space<vmem>>) semaphore(%arg53 : memref<!tpu.dma_semaphore, #tpu.memory_space<semaphore_mem>>) {add = true}
      %add3A_463 = arith.constant 8 : i32
      %add3A_464 = arith.addi %add3A_447, %add3A_463 : i32
      %lt3A_465 = arith.constant 125 : i32
      %lt3A_466 = arith.cmpi slt, %add3A_464, %lt3A_465 : i32
      %ge3A_467 = arith.constant 5 : i32
      %ge3A_468 = arith.cmpi sge, %add3A_447, %ge3A_467 : i32
      %and3A_469 = arith.andi %lt3A_466, %ge3A_468 : i1
      %convert_element_type3A_470 = arith.extui %and3A_469 : i1 to i32
      %cond3A_471 = arith.constant 0 : i32
      %cond3A_472 = arith.cmpi ne, %convert_element_type3A_470, %cond3A_471 : i32
      scf.if %cond3A_472 {
        %dma_wait3A_777 = arith.constant 0 : i32
        %dma_wait3A_778 = arith.constant 0 : i32
        %dma_wait3A_779 = tpu.memref_slice %arg2[%dma_wait3A_777, %dma_wait3A_778] : memref<10000x128xbf16, #tpu.memory_space<hbm>> -> memref<80x128xbf16, #tpu.memory_space<hbm>>
        %dma_wait3A_780 = arith.constant 0 : i32
        %dma_wait3A_781 = arith.constant 0 : i32
        %dma_wait3A_782 = tpu.memref_slice %arg2[%dma_wait3A_780, %dma_wait3A_781] : memref<10000x128xbf16, #tpu.memory_space<hbm>> -> memref<80x128xbf16, #tpu.memory_space<hbm>>
        tpu.wait_dma2 semaphore(%arg52 : memref<!tpu.dma_semaphore, #tpu.memory_space<semaphore_mem>>) src(%dma_wait3A_782 : memref<80x128xbf16, #tpu.memory_space<hbm>>) dst(%arg12 : memref<80x128xbf16, #tpu.memory_space<vmem>>)
        %mul3A_783 = arith.constant 80 : i32
        %mul3A_784 = arith.muli %add3A_464, %mul3A_783 : i32
        %dma_start3A_785 = tpu.memref_slice %arg9[%mul3A_784] : memref<10000xi32, #tpu.memory_space<vmem>> -> memref<80xi32, #tpu.memory_space<vmem>>
        %dma_start3A_786 = arith.constant 0 : i32
        %dma_start3A_787 = arith.constant 0 : i32
        %dma_start3A_788 = tpu.memref_slice %arg2[%dma_start3A_786, %dma_start3A_787] : memref<10000x128xbf16, #tpu.memory_space<hbm>> -> memref<10000x128xbf16, #tpu.memory_space<hbm>>
        tpu.enqueue_indirect_dma source(%dma_start3A_788 : memref<10000x128xbf16, #tpu.memory_space<hbm>>) target(%arg24 : memref<80x128xbf16, #tpu.memory_space<vmem>>) offsets(%dma_start3A_785 : memref<80xi32, #tpu.memory_space<vmem>>) semaphore(%arg39 : memref<!tpu.dma_semaphore, #tpu.memory_space<semaphore_mem>>)
      } else {
      }
      %lt3A_473 = arith.constant 125 : i32
      %lt3A_474 = arith.cmpi slt, %add3A_464, %lt3A_473 : i32
      %lt3A_475 = arith.constant 5 : i32
      %lt3A_476 = arith.cmpi slt, %add3A_447, %lt3A_475 : i32
      %and3A_477 = arith.andi %lt3A_474, %lt3A_476 : i1
      %convert_element_type3A_478 = arith.extui %and3A_477 : i1 to i32
      %cond3A_479 = arith.constant 0 : i32
      %cond3A_480 = arith.cmpi ne, %convert_element_type3A_478, %cond3A_479 : i32
      scf.if %cond3A_480 {
        %mul3A_777 = arith.constant 80 : i32
        %mul3A_778 = arith.muli %add3A_464, %mul3A_777 : i32
        %dma_start3A_779 = tpu.memref_slice %arg9[%mul3A_778] : memref<10000xi32, #tpu.memory_space<vmem>> -> memref<80xi32, #tpu.memory_space<vmem>>
        %dma_start3A_780 = arith.constant 0 : i32
        %dma_start3A_781 = arith.constant 0 : i32
        %dma_start3A_782 = tpu.memref_slice %arg2[%dma_start3A_780, %dma_start3A_781] : memref<10000x128xbf16, #tpu.memory_space<hbm>> -> memref<10000x128xbf16, #tpu.memory_space<hbm>>
        tpu.enqueue_indirect_dma source(%dma_start3A_782 : memref<10000x128xbf16, #tpu.memory_space<hbm>>) target(%arg24 : memref<80x128xbf16, #tpu.memory_space<vmem>>) offsets(%dma_start3A_779 : memref<80xi32, #tpu.memory_space<vmem>>) semaphore(%arg39 : memref<!tpu.dma_semaphore, #tpu.memory_space<semaphore_mem>>)
      } else {
      }
      %mul3A_481 = arith.constant 13 : i32
      %mul3A_482 = arith.muli %scan3A_297, %mul3A_481 : i32
      %add3A_483 = arith.constant 5 : i32
      %add3A_484 = arith.addi %mul3A_482, %add3A_483 : i32
      %dma_wait3A_485 = arith.constant 0 : i32
      %dma_wait3A_486 = arith.constant 0 : i32
      %dma_wait3A_487 = tpu.memref_slice %arg2[%dma_wait3A_485, %dma_wait3A_486] : memref<10000x128xbf16, #tpu.memory_space<hbm>> -> memref<80x128xbf16, #tpu.memory_space<hbm>>
      %dma_wait3A_488 = arith.constant 0 : i32
      %dma_wait3A_489 = arith.constant 0 : i32
      %dma_wait3A_490 = tpu.memref_slice %arg2[%dma_wait3A_488, %dma_wait3A_489] : memref<10000x128xbf16, #tpu.memory_space<hbm>> -> memref<80x128xbf16, #tpu.memory_space<hbm>>
      tpu.wait_dma2 semaphore(%arg32 : memref<!tpu.dma_semaphore, #tpu.memory_space<semaphore_mem>>) src(%dma_wait3A_490 : memref<80x128xbf16, #tpu.memory_space<hbm>>) dst(%arg12 : memref<80x128xbf16, #tpu.memory_space<vmem>>)
      %mul3A_491 = arith.constant 80 : i32
      %mul3A_492 = arith.muli %add3A_484, %mul3A_491 : i32
      %dma_start3A_493 = tpu.memref_slice %arg10[%mul3A_492] : memref<10000xi32, #tpu.memory_space<vmem>> -> memref<80xi32, #tpu.memory_space<vmem>>
      %dma_start3A_494 = arith.constant 0 : i32
      %dma_start3A_495 = arith.constant 0 : i32
      %dma_start3A_496 = tpu.memref_slice %arg25[%dma_start3A_494, %dma_start3A_495] : memref<10000x128xbf16, #tpu.memory_space<vmem_shared>> -> memref<10000x128xbf16, #tpu.memory_space<vmem_shared>>
      tpu.enqueue_indirect_dma source(%arg17 : memref<80x128xbf16, #tpu.memory_space<vmem>>) target(%dma_start3A_496 : memref<10000x128xbf16, #tpu.memory_space<vmem_shared>>) offsets(%dma_start3A_493 : memref<80xi32, #tpu.memory_space<vmem>>) semaphore(%arg45 : memref<!tpu.dma_semaphore, #tpu.memory_space<semaphore_mem>>) {add = true}
      %dma_start3A_497 = tpu.memref_slice %arg10[%mul3A_492] : memref<10000xi32, #tpu.memory_space<vmem>> -> memref<80xi32, #tpu.memory_space<vmem>>
      %dma_start3A_498 = arith.constant 0 : i32
      %dma_start3A_499 = tpu.memref_slice %arg26[%dma_start3A_498] : memref<10240xf32, #tpu.memory_space<vmem_shared>> -> memref<10240xf32, #tpu.memory_space<vmem_shared>>
      tpu.enqueue_indirect_dma source(%arg11 : memref<80xf32, #tpu.memory_space<vmem>>) target(%dma_start3A_499 : memref<10240xf32, #tpu.memory_space<vmem_shared>>) offsets(%dma_start3A_497 : memref<80xi32, #tpu.memory_space<vmem>>) semaphore(%arg53 : memref<!tpu.dma_semaphore, #tpu.memory_space<semaphore_mem>>) {add = true}
      %add3A_500 = arith.constant 8 : i32
      %add3A_501 = arith.addi %add3A_484, %add3A_500 : i32
      %lt3A_502 = arith.constant 125 : i32
      %lt3A_503 = arith.cmpi slt, %add3A_501, %lt3A_502 : i32
      %ge3A_504 = arith.constant 5 : i32
      %ge3A_505 = arith.cmpi sge, %add3A_484, %ge3A_504 : i32
      %and3A_506 = arith.andi %lt3A_503, %ge3A_505 : i1
      %convert_element_type3A_507 = arith.extui %and3A_506 : i1 to i32
      %cond3A_508 = arith.constant 0 : i32
      %cond3A_509 = arith.cmpi ne, %convert_element_type3A_507, %cond3A_508 : i32
      scf.if %cond3A_509 {
        %dma_wait3A_777 = arith.constant 0 : i32
        %dma_wait3A_778 = arith.constant 0 : i32
        %dma_wait3A_779 = tpu.memref_slice %arg2[%dma_wait3A_777, %dma_wait3A_778] : memref<10000x128xbf16, #tpu.memory_space<hbm>> -> memref<80x128xbf16, #tpu.memory_space<hbm>>
        %dma_wait3A_780 = arith.constant 0 : i32
        %dma_wait3A_781 = arith.constant 0 : i32
        %dma_wait3A_782 = tpu.memref_slice %arg2[%dma_wait3A_780, %dma_wait3A_781] : memref<10000x128xbf16, #tpu.memory_space<hbm>> -> memref<80x128xbf16, #tpu.memory_space<hbm>>
        tpu.wait_dma2 semaphore(%arg40 : memref<!tpu.dma_semaphore, #tpu.memory_space<semaphore_mem>>) src(%dma_wait3A_782 : memref<80x128xbf16, #tpu.memory_space<hbm>>) dst(%arg12 : memref<80x128xbf16, #tpu.memory_space<vmem>>)
        %mul3A_783 = arith.constant 80 : i32
        %mul3A_784 = arith.muli %add3A_501, %mul3A_783 : i32
        %dma_start3A_785 = tpu.memref_slice %arg9[%mul3A_784] : memref<10000xi32, #tpu.memory_space<vmem>> -> memref<80xi32, #tpu.memory_space<vmem>>
        %dma_start3A_786 = arith.constant 0 : i32
        %dma_start3A_787 = arith.constant 0 : i32
        %dma_start3A_788 = tpu.memref_slice %arg2[%dma_start3A_786, %dma_start3A_787] : memref<10000x128xbf16, #tpu.memory_space<hbm>> -> memref<10000x128xbf16, #tpu.memory_space<hbm>>
        tpu.enqueue_indirect_dma source(%dma_start3A_788 : memref<10000x128xbf16, #tpu.memory_space<hbm>>) target(%arg12 : memref<80x128xbf16, #tpu.memory_space<vmem>>) offsets(%dma_start3A_785 : memref<80xi32, #tpu.memory_space<vmem>>) semaphore(%arg27 : memref<!tpu.dma_semaphore, #tpu.memory_space<semaphore_mem>>)
      } else {
      }
      %lt3A_510 = arith.constant 125 : i32
      %lt3A_511 = arith.cmpi slt, %add3A_501, %lt3A_510 : i32
      %lt3A_512 = arith.constant 5 : i32
      %lt3A_513 = arith.cmpi slt, %add3A_484, %lt3A_512 : i32
      %and3A_514 = arith.andi %lt3A_511, %lt3A_513 : i1
      %convert_element_type3A_515 = arith.extui %and3A_514 : i1 to i32
      %cond3A_516 = arith.constant 0 : i32
      %cond3A_517 = arith.cmpi ne, %convert_element_type3A_515, %cond3A_516 : i32
      scf.if %cond3A_517 {
        %mul3A_777 = arith.constant 80 : i32
        %mul3A_778 = arith.muli %add3A_501, %mul3A_777 : i32
        %dma_start3A_779 = tpu.memref_slice %arg9[%mul3A_778] : memref<10000xi32, #tpu.memory_space<vmem>> -> memref<80xi32, #tpu.memory_space<vmem>>
        %dma_start3A_780 = arith.constant 0 : i32
        %dma_start3A_781 = arith.constant 0 : i32
        %dma_start3A_782 = tpu.memref_slice %arg2[%dma_start3A_780, %dma_start3A_781] : memref<10000x128xbf16, #tpu.memory_space<hbm>> -> memref<10000x128xbf16, #tpu.memory_space<hbm>>
        tpu.enqueue_indirect_dma source(%dma_start3A_782 : memref<10000x128xbf16, #tpu.memory_space<hbm>>) target(%arg12 : memref<80x128xbf16, #tpu.memory_space<vmem>>) offsets(%dma_start3A_779 : memref<80xi32, #tpu.memory_space<vmem>>) semaphore(%arg27 : memref<!tpu.dma_semaphore, #tpu.memory_space<semaphore_mem>>)
      } else {
      }
      %mul3A_518 = arith.constant 13 : i32
      %mul3A_519 = arith.muli %scan3A_297, %mul3A_518 : i32
      %add3A_520 = arith.constant 6 : i32
      %add3A_521 = arith.addi %mul3A_519, %add3A_520 : i32
      %dma_wait3A_522 = arith.constant 0 : i32
      %dma_wait3A_523 = arith.constant 0 : i32
      %dma_wait3A_524 = tpu.memref_slice %arg2[%dma_wait3A_522, %dma_wait3A_523] : memref<10000x128xbf16, #tpu.memory_space<hbm>> -> memref<80x128xbf16, #tpu.memory_space<hbm>>
      %dma_wait3A_525 = arith.constant 0 : i32
      %dma_wait3A_526 = arith.constant 0 : i32
      %dma_wait3A_527 = tpu.memref_slice %arg2[%dma_wait3A_525, %dma_wait3A_526] : memref<10000x128xbf16, #tpu.memory_space<hbm>> -> memref<80x128xbf16, #tpu.memory_space<hbm>>
      tpu.wait_dma2 semaphore(%arg33 : memref<!tpu.dma_semaphore, #tpu.memory_space<semaphore_mem>>) src(%dma_wait3A_527 : memref<80x128xbf16, #tpu.memory_space<hbm>>) dst(%arg12 : memref<80x128xbf16, #tpu.memory_space<vmem>>)
      %mul3A_528 = arith.constant 80 : i32
      %mul3A_529 = arith.muli %add3A_521, %mul3A_528 : i32
      %dma_start3A_530 = tpu.memref_slice %arg10[%mul3A_529] : memref<10000xi32, #tpu.memory_space<vmem>> -> memref<80xi32, #tpu.memory_space<vmem>>
      %dma_start3A_531 = arith.constant 0 : i32
      %dma_start3A_532 = arith.constant 0 : i32
      %dma_start3A_533 = tpu.memref_slice %arg25[%dma_start3A_531, %dma_start3A_532] : memref<10000x128xbf16, #tpu.memory_space<vmem_shared>> -> memref<10000x128xbf16, #tpu.memory_space<vmem_shared>>
      tpu.enqueue_indirect_dma source(%arg18 : memref<80x128xbf16, #tpu.memory_space<vmem>>) target(%dma_start3A_533 : memref<10000x128xbf16, #tpu.memory_space<vmem_shared>>) offsets(%dma_start3A_530 : memref<80xi32, #tpu.memory_space<vmem>>) semaphore(%arg46 : memref<!tpu.dma_semaphore, #tpu.memory_space<semaphore_mem>>) {add = true}
      %dma_start3A_534 = tpu.memref_slice %arg10[%mul3A_529] : memref<10000xi32, #tpu.memory_space<vmem>> -> memref<80xi32, #tpu.memory_space<vmem>>
      %dma_start3A_535 = arith.constant 0 : i32
      %dma_start3A_536 = tpu.memref_slice %arg26[%dma_start3A_535] : memref<10240xf32, #tpu.memory_space<vmem_shared>> -> memref<10240xf32, #tpu.memory_space<vmem_shared>>
      tpu.enqueue_indirect_dma source(%arg11 : memref<80xf32, #tpu.memory_space<vmem>>) target(%dma_start3A_536 : memref<10240xf32, #tpu.memory_space<vmem_shared>>) offsets(%dma_start3A_534 : memref<80xi32, #tpu.memory_space<vmem>>) semaphore(%arg53 : memref<!tpu.dma_semaphore, #tpu.memory_space<semaphore_mem>>) {add = true}
      %add3A_537 = arith.constant 8 : i32
      %add3A_538 = arith.addi %add3A_521, %add3A_537 : i32
      %lt3A_539 = arith.constant 125 : i32
      %lt3A_540 = arith.cmpi slt, %add3A_538, %lt3A_539 : i32
      %ge3A_541 = arith.constant 5 : i32
      %ge3A_542 = arith.cmpi sge, %add3A_521, %ge3A_541 : i32
      %and3A_543 = arith.andi %lt3A_540, %ge3A_542 : i1
      %convert_element_type3A_544 = arith.extui %and3A_543 : i1 to i32
      %cond3A_545 = arith.constant 0 : i32
      %cond3A_546 = arith.cmpi ne, %convert_element_type3A_544, %cond3A_545 : i32
      scf.if %cond3A_546 {
        %dma_wait3A_777 = arith.constant 0 : i32
        %dma_wait3A_778 = arith.constant 0 : i32
        %dma_wait3A_779 = tpu.memref_slice %arg2[%dma_wait3A_777, %dma_wait3A_778] : memref<10000x128xbf16, #tpu.memory_space<hbm>> -> memref<80x128xbf16, #tpu.memory_space<hbm>>
        %dma_wait3A_780 = arith.constant 0 : i32
        %dma_wait3A_781 = arith.constant 0 : i32
        %dma_wait3A_782 = tpu.memref_slice %arg2[%dma_wait3A_780, %dma_wait3A_781] : memref<10000x128xbf16, #tpu.memory_space<hbm>> -> memref<80x128xbf16, #tpu.memory_space<hbm>>
        tpu.wait_dma2 semaphore(%arg41 : memref<!tpu.dma_semaphore, #tpu.memory_space<semaphore_mem>>) src(%dma_wait3A_782 : memref<80x128xbf16, #tpu.memory_space<hbm>>) dst(%arg12 : memref<80x128xbf16, #tpu.memory_space<vmem>>)
        %mul3A_783 = arith.constant 80 : i32
        %mul3A_784 = arith.muli %add3A_538, %mul3A_783 : i32
        %dma_start3A_785 = tpu.memref_slice %arg9[%mul3A_784] : memref<10000xi32, #tpu.memory_space<vmem>> -> memref<80xi32, #tpu.memory_space<vmem>>
        %dma_start3A_786 = arith.constant 0 : i32
        %dma_start3A_787 = arith.constant 0 : i32
        %dma_start3A_788 = tpu.memref_slice %arg2[%dma_start3A_786, %dma_start3A_787] : memref<10000x128xbf16, #tpu.memory_space<hbm>> -> memref<10000x128xbf16, #tpu.memory_space<hbm>>
        tpu.enqueue_indirect_dma source(%dma_start3A_788 : memref<10000x128xbf16, #tpu.memory_space<hbm>>) target(%arg13 : memref<80x128xbf16, #tpu.memory_space<vmem>>) offsets(%dma_start3A_785 : memref<80xi32, #tpu.memory_space<vmem>>) semaphore(%arg28 : memref<!tpu.dma_semaphore, #tpu.memory_space<semaphore_mem>>)
      } else {
      }
      %lt3A_547 = arith.constant 125 : i32
      %lt3A_548 = arith.cmpi slt, %add3A_538, %lt3A_547 : i32
      %lt3A_549 = arith.constant 5 : i32
      %lt3A_550 = arith.cmpi slt, %add3A_521, %lt3A_549 : i32
      %and3A_551 = arith.andi %lt3A_548, %lt3A_550 : i1
      %convert_element_type3A_552 = arith.extui %and3A_551 : i1 to i32
      %cond3A_553 = arith.constant 0 : i32
      %cond3A_554 = arith.cmpi ne, %convert_element_type3A_552, %cond3A_553 : i32
      scf.if %cond3A_554 {
        %mul3A_777 = arith.constant 80 : i32
        %mul3A_778 = arith.muli %add3A_538, %mul3A_777 : i32
        %dma_start3A_779 = tpu.memref_slice %arg9[%mul3A_778] : memref<10000xi32, #tpu.memory_space<vmem>> -> memref<80xi32, #tpu.memory_space<vmem>>
        %dma_start3A_780 = arith.constant 0 : i32
        %dma_start3A_781 = arith.constant 0 : i32
        %dma_start3A_782 = tpu.memref_slice %arg2[%dma_start3A_780, %dma_start3A_781] : memref<10000x128xbf16, #tpu.memory_space<hbm>> -> memref<10000x128xbf16, #tpu.memory_space<hbm>>
        tpu.enqueue_indirect_dma source(%dma_start3A_782 : memref<10000x128xbf16, #tpu.memory_space<hbm>>) target(%arg13 : memref<80x128xbf16, #tpu.memory_space<vmem>>) offsets(%dma_start3A_779 : memref<80xi32, #tpu.memory_space<vmem>>) semaphore(%arg28 : memref<!tpu.dma_semaphore, #tpu.memory_space<semaphore_mem>>)
      } else {
      }
      %mul3A_555 = arith.constant 13 : i32
      %mul3A_556 = arith.muli %scan3A_297, %mul3A_555 : i32
      %add3A_557 = arith.constant 7 : i32
      %add3A_558 = arith.addi %mul3A_556, %add3A_557 : i32
      %dma_wait3A_559 = arith.constant 0 : i32
      %dma_wait3A_560 = arith.constant 0 : i32
      %dma_wait3A_561 = tpu.memref_slice %arg2[%dma_wait3A_559, %dma_wait3A_560] : memref<10000x128xbf16, #tpu.memory_space<hbm>> -> memref<80x128xbf16, #tpu.memory_space<hbm>>
      %dma_wait3A_562 = arith.constant 0 : i32
      %dma_wait3A_563 = arith.constant 0 : i32
      %dma_wait3A_564 = tpu.memref_slice %arg2[%dma_wait3A_562, %dma_wait3A_563] : memref<10000x128xbf16, #tpu.memory_space<hbm>> -> memref<80x128xbf16, #tpu.memory_space<hbm>>
      tpu.wait_dma2 semaphore(%arg34 : memref<!tpu.dma_semaphore, #tpu.memory_space<semaphore_mem>>) src(%dma_wait3A_564 : memref<80x128xbf16, #tpu.memory_space<hbm>>) dst(%arg12 : memref<80x128xbf16, #tpu.memory_space<vmem>>)
      %mul3A_565 = arith.constant 80 : i32
      %mul3A_566 = arith.muli %add3A_558, %mul3A_565 : i32
      %dma_start3A_567 = tpu.memref_slice %arg10[%mul3A_566] : memref<10000xi32, #tpu.memory_space<vmem>> -> memref<80xi32, #tpu.memory_space<vmem>>
      %dma_start3A_568 = arith.constant 0 : i32
      %dma_start3A_569 = arith.constant 0 : i32
      %dma_start3A_570 = tpu.memref_slice %arg25[%dma_start3A_568, %dma_start3A_569] : memref<10000x128xbf16, #tpu.memory_space<vmem_shared>> -> memref<10000x128xbf16, #tpu.memory_space<vmem_shared>>
      tpu.enqueue_indirect_dma source(%arg19 : memref<80x128xbf16, #tpu.memory_space<vmem>>) target(%dma_start3A_570 : memref<10000x128xbf16, #tpu.memory_space<vmem_shared>>) offsets(%dma_start3A_567 : memref<80xi32, #tpu.memory_space<vmem>>) semaphore(%arg47 : memref<!tpu.dma_semaphore, #tpu.memory_space<semaphore_mem>>) {add = true}
      %dma_start3A_571 = tpu.memref_slice %arg10[%mul3A_566] : memref<10000xi32, #tpu.memory_space<vmem>> -> memref<80xi32, #tpu.memory_space<vmem>>
      %dma_start3A_572 = arith.constant 0 : i32
      %dma_start3A_573 = tpu.memref_slice %arg26[%dma_start3A_572] : memref<10240xf32, #tpu.memory_space<vmem_shared>> -> memref<10240xf32, #tpu.memory_space<vmem_shared>>
      tpu.enqueue_indirect_dma source(%arg11 : memref<80xf32, #tpu.memory_space<vmem>>) target(%dma_start3A_573 : memref<10240xf32, #tpu.memory_space<vmem_shared>>) offsets(%dma_start3A_571 : memref<80xi32, #tpu.memory_space<vmem>>) semaphore(%arg53 : memref<!tpu.dma_semaphore, #tpu.memory_space<semaphore_mem>>) {add = true}
      %add3A_574 = arith.constant 8 : i32
      %add3A_575 = arith.addi %add3A_558, %add3A_574 : i32
      %lt3A_576 = arith.constant 125 : i32
      %lt3A_577 = arith.cmpi slt, %add3A_575, %lt3A_576 : i32
      %ge3A_578 = arith.constant 5 : i32
      %ge3A_579 = arith.cmpi sge, %add3A_558, %ge3A_578 : i32
      %and3A_580 = arith.andi %lt3A_577, %ge3A_579 : i1
      %convert_element_type3A_581 = arith.extui %and3A_580 : i1 to i32
      %cond3A_582 = arith.constant 0 : i32
      %cond3A_583 = arith.cmpi ne, %convert_element_type3A_581, %cond3A_582 : i32
      scf.if %cond3A_583 {
        %dma_wait3A_777 = arith.constant 0 : i32
        %dma_wait3A_778 = arith.constant 0 : i32
        %dma_wait3A_779 = tpu.memref_slice %arg2[%dma_wait3A_777, %dma_wait3A_778] : memref<10000x128xbf16, #tpu.memory_space<hbm>> -> memref<80x128xbf16, #tpu.memory_space<hbm>>
        %dma_wait3A_780 = arith.constant 0 : i32
        %dma_wait3A_781 = arith.constant 0 : i32
        %dma_wait3A_782 = tpu.memref_slice %arg2[%dma_wait3A_780, %dma_wait3A_781] : memref<10000x128xbf16, #tpu.memory_space<hbm>> -> memref<80x128xbf16, #tpu.memory_space<hbm>>
        tpu.wait_dma2 semaphore(%arg42 : memref<!tpu.dma_semaphore, #tpu.memory_space<semaphore_mem>>) src(%dma_wait3A_782 : memref<80x128xbf16, #tpu.memory_space<hbm>>) dst(%arg12 : memref<80x128xbf16, #tpu.memory_space<vmem>>)
        %mul3A_783 = arith.constant 80 : i32
        %mul3A_784 = arith.muli %add3A_575, %mul3A_783 : i32
        %dma_start3A_785 = tpu.memref_slice %arg9[%mul3A_784] : memref<10000xi32, #tpu.memory_space<vmem>> -> memref<80xi32, #tpu.memory_space<vmem>>
        %dma_start3A_786 = arith.constant 0 : i32
        %dma_start3A_787 = arith.constant 0 : i32
        %dma_start3A_788 = tpu.memref_slice %arg2[%dma_start3A_786, %dma_start3A_787] : memref<10000x128xbf16, #tpu.memory_space<hbm>> -> memref<10000x128xbf16, #tpu.memory_space<hbm>>
        tpu.enqueue_indirect_dma source(%dma_start3A_788 : memref<10000x128xbf16, #tpu.memory_space<hbm>>) target(%arg14 : memref<80x128xbf16, #tpu.memory_space<vmem>>) offsets(%dma_start3A_785 : memref<80xi32, #tpu.memory_space<vmem>>) semaphore(%arg29 : memref<!tpu.dma_semaphore, #tpu.memory_space<semaphore_mem>>)
      } else {
      }
      %lt3A_584 = arith.constant 125 : i32
      %lt3A_585 = arith.cmpi slt, %add3A_575, %lt3A_584 : i32
      %lt3A_586 = arith.constant 5 : i32
      %lt3A_587 = arith.cmpi slt, %add3A_558, %lt3A_586 : i32
      %and3A_588 = arith.andi %lt3A_585, %lt3A_587 : i1
      %convert_element_type3A_589 = arith.extui %and3A_588 : i1 to i32
      %cond3A_590 = arith.constant 0 : i32
      %cond3A_591 = arith.cmpi ne, %convert_element_type3A_589, %cond3A_590 : i32
      scf.if %cond3A_591 {
        %mul3A_777 = arith.constant 80 : i32
        %mul3A_778 = arith.muli %add3A_575, %mul3A_777 : i32
        %dma_start3A_779 = tpu.memref_slice %arg9[%mul3A_778] : memref<10000xi32, #tpu.memory_space<vmem>> -> memref<80xi32, #tpu.memory_space<vmem>>
        %dma_start3A_780 = arith.constant 0 : i32
        %dma_start3A_781 = arith.constant 0 : i32
        %dma_start3A_782 = tpu.memref_slice %arg2[%dma_start3A_780, %dma_start3A_781] : memref<10000x128xbf16, #tpu.memory_space<hbm>> -> memref<10000x128xbf16, #tpu.memory_space<hbm>>
        tpu.enqueue_indirect_dma source(%dma_start3A_782 : memref<10000x128xbf16, #tpu.memory_space<hbm>>) target(%arg14 : memref<80x128xbf16, #tpu.memory_space<vmem>>) offsets(%dma_start3A_779 : memref<80xi32, #tpu.memory_space<vmem>>) semaphore(%arg29 : memref<!tpu.dma_semaphore, #tpu.memory_space<semaphore_mem>>)
      } else {
      }
      %mul3A_592 = arith.constant 13 : i32
      %mul3A_593 = arith.muli %scan3A_297, %mul3A_592 : i32
      %add3A_594 = arith.constant 8 : i32
      %add3A_595 = arith.addi %mul3A_593, %add3A_594 : i32
      %dma_wait3A_596 = arith.constant 0 : i32
      %dma_wait3A_597 = arith.constant 0 : i32
      %dma_wait3A_598 = tpu.memref_slice %arg2[%dma_wait3A_596, %dma_wait3A_597] : memref<10000x128xbf16, #tpu.memory_space<hbm>> -> memref<80x128xbf16, #tpu.memory_space<hbm>>
      %dma_wait3A_599 = arith.constant 0 : i32
      %dma_wait3A_600 = arith.constant 0 : i32
      %dma_wait3A_601 = tpu.memref_slice %arg2[%dma_wait3A_599, %dma_wait3A_600] : memref<10000x128xbf16, #tpu.memory_space<hbm>> -> memref<80x128xbf16, #tpu.memory_space<hbm>>
      tpu.wait_dma2 semaphore(%arg35 : memref<!tpu.dma_semaphore, #tpu.memory_space<semaphore_mem>>) src(%dma_wait3A_601 : memref<80x128xbf16, #tpu.memory_space<hbm>>) dst(%arg12 : memref<80x128xbf16, #tpu.memory_space<vmem>>)
      %mul3A_602 = arith.constant 80 : i32
      %mul3A_603 = arith.muli %add3A_595, %mul3A_602 : i32
      %dma_start3A_604 = tpu.memref_slice %arg10[%mul3A_603] : memref<10000xi32, #tpu.memory_space<vmem>> -> memref<80xi32, #tpu.memory_space<vmem>>
      %dma_start3A_605 = arith.constant 0 : i32
      %dma_start3A_606 = arith.constant 0 : i32
      %dma_start3A_607 = tpu.memref_slice %arg25[%dma_start3A_605, %dma_start3A_606] : memref<10000x128xbf16, #tpu.memory_space<vmem_shared>> -> memref<10000x128xbf16, #tpu.memory_space<vmem_shared>>
      tpu.enqueue_indirect_dma source(%arg20 : memref<80x128xbf16, #tpu.memory_space<vmem>>) target(%dma_start3A_607 : memref<10000x128xbf16, #tpu.memory_space<vmem_shared>>) offsets(%dma_start3A_604 : memref<80xi32, #tpu.memory_space<vmem>>) semaphore(%arg48 : memref<!tpu.dma_semaphore, #tpu.memory_space<semaphore_mem>>) {add = true}
      %dma_start3A_608 = tpu.memref_slice %arg10[%mul3A_603] : memref<10000xi32, #tpu.memory_space<vmem>> -> memref<80xi32, #tpu.memory_space<vmem>>
      %dma_start3A_609 = arith.constant 0 : i32
      %dma_start3A_610 = tpu.memref_slice %arg26[%dma_start3A_609] : memref<10240xf32, #tpu.memory_space<vmem_shared>> -> memref<10240xf32, #tpu.memory_space<vmem_shared>>
      tpu.enqueue_indirect_dma source(%arg11 : memref<80xf32, #tpu.memory_space<vmem>>) target(%dma_start3A_610 : memref<10240xf32, #tpu.memory_space<vmem_shared>>) offsets(%dma_start3A_608 : memref<80xi32, #tpu.memory_space<vmem>>) semaphore(%arg53 : memref<!tpu.dma_semaphore, #tpu.memory_space<semaphore_mem>>) {add = true}
      %add3A_611 = arith.constant 8 : i32
      %add3A_612 = arith.addi %add3A_595, %add3A_611 : i32
      %lt3A_613 = arith.constant 125 : i32
      %lt3A_614 = arith.cmpi slt, %add3A_612, %lt3A_613 : i32
      %ge3A_615 = arith.constant 5 : i32
      %ge3A_616 = arith.cmpi sge, %add3A_595, %ge3A_615 : i32
      %and3A_617 = arith.andi %lt3A_614, %ge3A_616 : i1
      %convert_element_type3A_618 = arith.extui %and3A_617 : i1 to i32
      %cond3A_619 = arith.constant 0 : i32
      %cond3A_620 = arith.cmpi ne, %convert_element_type3A_618, %cond3A_619 : i32
      scf.if %cond3A_620 {
        %dma_wait3A_777 = arith.constant 0 : i32
        %dma_wait3A_778 = arith.constant 0 : i32
        %dma_wait3A_779 = tpu.memref_slice %arg2[%dma_wait3A_777, %dma_wait3A_778] : memref<10000x128xbf16, #tpu.memory_space<hbm>> -> memref<80x128xbf16, #tpu.memory_space<hbm>>
        %dma_wait3A_780 = arith.constant 0 : i32
        %dma_wait3A_781 = arith.constant 0 : i32
        %dma_wait3A_782 = tpu.memref_slice %arg2[%dma_wait3A_780, %dma_wait3A_781] : memref<10000x128xbf16, #tpu.memory_space<hbm>> -> memref<80x128xbf16, #tpu.memory_space<hbm>>
        tpu.wait_dma2 semaphore(%arg43 : memref<!tpu.dma_semaphore, #tpu.memory_space<semaphore_mem>>) src(%dma_wait3A_782 : memref<80x128xbf16, #tpu.memory_space<hbm>>) dst(%arg12 : memref<80x128xbf16, #tpu.memory_space<vmem>>)
        %mul3A_783 = arith.constant 80 : i32
        %mul3A_784 = arith.muli %add3A_612, %mul3A_783 : i32
        %dma_start3A_785 = tpu.memref_slice %arg9[%mul3A_784] : memref<10000xi32, #tpu.memory_space<vmem>> -> memref<80xi32, #tpu.memory_space<vmem>>
        %dma_start3A_786 = arith.constant 0 : i32
        %dma_start3A_787 = arith.constant 0 : i32
        %dma_start3A_788 = tpu.memref_slice %arg2[%dma_start3A_786, %dma_start3A_787] : memref<10000x128xbf16, #tpu.memory_space<hbm>> -> memref<10000x128xbf16, #tpu.memory_space<hbm>>
        tpu.enqueue_indirect_dma source(%dma_start3A_788 : memref<10000x128xbf16, #tpu.memory_space<hbm>>) target(%arg15 : memref<80x128xbf16, #tpu.memory_space<vmem>>) offsets(%dma_start3A_785 : memref<80xi32, #tpu.memory_space<vmem>>) semaphore(%arg30 : memref<!tpu.dma_semaphore, #tpu.memory_space<semaphore_mem>>)
      } else {
      }
      %lt3A_621 = arith.constant 125 : i32
      %lt3A_622 = arith.cmpi slt, %add3A_612, %lt3A_621 : i32
      %lt3A_623 = arith.constant 5 : i32
      %lt3A_624 = arith.cmpi slt, %add3A_595, %lt3A_623 : i32
      %and3A_625 = arith.andi %lt3A_622, %lt3A_624 : i1
      %convert_element_type3A_626 = arith.extui %and3A_625 : i1 to i32
      %cond3A_627 = arith.constant 0 : i32
      %cond3A_628 = arith.cmpi ne, %convert_element_type3A_626, %cond3A_627 : i32
      scf.if %cond3A_628 {
        %mul3A_777 = arith.constant 80 : i32
        %mul3A_778 = arith.muli %add3A_612, %mul3A_777 : i32
        %dma_start3A_779 = tpu.memref_slice %arg9[%mul3A_778] : memref<10000xi32, #tpu.memory_space<vmem>> -> memref<80xi32, #tpu.memory_space<vmem>>
        %dma_start3A_780 = arith.constant 0 : i32
        %dma_start3A_781 = arith.constant 0 : i32
        %dma_start3A_782 = tpu.memref_slice %arg2[%dma_start3A_780, %dma_start3A_781] : memref<10000x128xbf16, #tpu.memory_space<hbm>> -> memref<10000x128xbf16, #tpu.memory_space<hbm>>
        tpu.enqueue_indirect_dma source(%dma_start3A_782 : memref<10000x128xbf16, #tpu.memory_space<hbm>>) target(%arg15 : memref<80x128xbf16, #tpu.memory_space<vmem>>) offsets(%dma_start3A_779 : memref<80xi32, #tpu.memory_space<vmem>>) semaphore(%arg30 : memref<!tpu.dma_semaphore, #tpu.memory_space<semaphore_mem>>)
      } else {
      }
      %mul3A_629 = arith.constant 13 : i32
      %mul3A_630 = arith.muli %scan3A_297, %mul3A_629 : i32
      %add3A_631 = arith.constant 9 : i32
      %add3A_632 = arith.addi %mul3A_630, %add3A_631 : i32
      %dma_wait3A_633 = arith.constant 0 : i32
      %dma_wait3A_634 = arith.constant 0 : i32
      %dma_wait3A_635 = tpu.memref_slice %arg2[%dma_wait3A_633, %dma_wait3A_634] : memref<10000x128xbf16, #tpu.memory_space<hbm>> -> memref<80x128xbf16, #tpu.memory_space<hbm>>
      %dma_wait3A_636 = arith.constant 0 : i32
      %dma_wait3A_637 = arith.constant 0 : i32
      %dma_wait3A_638 = tpu.memref_slice %arg2[%dma_wait3A_636, %dma_wait3A_637] : memref<10000x128xbf16, #tpu.memory_space<hbm>> -> memref<80x128xbf16, #tpu.memory_space<hbm>>
      tpu.wait_dma2 semaphore(%arg36 : memref<!tpu.dma_semaphore, #tpu.memory_space<semaphore_mem>>) src(%dma_wait3A_638 : memref<80x128xbf16, #tpu.memory_space<hbm>>) dst(%arg12 : memref<80x128xbf16, #tpu.memory_space<vmem>>)
      %mul3A_639 = arith.constant 80 : i32
      %mul3A_640 = arith.muli %add3A_632, %mul3A_639 : i32
      %dma_start3A_641 = tpu.memref_slice %arg10[%mul3A_640] : memref<10000xi32, #tpu.memory_space<vmem>> -> memref<80xi32, #tpu.memory_space<vmem>>
      %dma_start3A_642 = arith.constant 0 : i32
      %dma_start3A_643 = arith.constant 0 : i32
      %dma_start3A_644 = tpu.memref_slice %arg25[%dma_start3A_642, %dma_start3A_643] : memref<10000x128xbf16, #tpu.memory_space<vmem_shared>> -> memref<10000x128xbf16, #tpu.memory_space<vmem_shared>>
      tpu.enqueue_indirect_dma source(%arg21 : memref<80x128xbf16, #tpu.memory_space<vmem>>) target(%dma_start3A_644 : memref<10000x128xbf16, #tpu.memory_space<vmem_shared>>) offsets(%dma_start3A_641 : memref<80xi32, #tpu.memory_space<vmem>>) semaphore(%arg49 : memref<!tpu.dma_semaphore, #tpu.memory_space<semaphore_mem>>) {add = true}
      %dma_start3A_645 = tpu.memref_slice %arg10[%mul3A_640] : memref<10000xi32, #tpu.memory_space<vmem>> -> memref<80xi32, #tpu.memory_space<vmem>>
      %dma_start3A_646 = arith.constant 0 : i32
      %dma_start3A_647 = tpu.memref_slice %arg26[%dma_start3A_646] : memref<10240xf32, #tpu.memory_space<vmem_shared>> -> memref<10240xf32, #tpu.memory_space<vmem_shared>>
      tpu.enqueue_indirect_dma source(%arg11 : memref<80xf32, #tpu.memory_space<vmem>>) target(%dma_start3A_647 : memref<10240xf32, #tpu.memory_space<vmem_shared>>) offsets(%dma_start3A_645 : memref<80xi32, #tpu.memory_space<vmem>>) semaphore(%arg53 : memref<!tpu.dma_semaphore, #tpu.memory_space<semaphore_mem>>) {add = true}
      %add3A_648 = arith.constant 8 : i32
      %add3A_649 = arith.addi %add3A_632, %add3A_648 : i32
      %lt3A_650 = arith.constant 125 : i32
      %lt3A_651 = arith.cmpi slt, %add3A_649, %lt3A_650 : i32
      %ge3A_652 = arith.constant 5 : i32
      %ge3A_653 = arith.cmpi sge, %add3A_632, %ge3A_652 : i32
      %and3A_654 = arith.andi %lt3A_651, %ge3A_653 : i1
      %convert_element_type3A_655 = arith.extui %and3A_654 : i1 to i32
      %cond3A_656 = arith.constant 0 : i32
      %cond3A_657 = arith.cmpi ne, %convert_element_type3A_655, %cond3A_656 : i32
      scf.if %cond3A_657 {
        %dma_wait3A_777 = arith.constant 0 : i32
        %dma_wait3A_778 = arith.constant 0 : i32
        %dma_wait3A_779 = tpu.memref_slice %arg2[%dma_wait3A_777, %dma_wait3A_778] : memref<10000x128xbf16, #tpu.memory_space<hbm>> -> memref<80x128xbf16, #tpu.memory_space<hbm>>
        %dma_wait3A_780 = arith.constant 0 : i32
        %dma_wait3A_781 = arith.constant 0 : i32
        %dma_wait3A_782 = tpu.memref_slice %arg2[%dma_wait3A_780, %dma_wait3A_781] : memref<10000x128xbf16, #tpu.memory_space<hbm>> -> memref<80x128xbf16, #tpu.memory_space<hbm>>
        tpu.wait_dma2 semaphore(%arg44 : memref<!tpu.dma_semaphore, #tpu.memory_space<semaphore_mem>>) src(%dma_wait3A_782 : memref<80x128xbf16, #tpu.memory_space<hbm>>) dst(%arg12 : memref<80x128xbf16, #tpu.memory_space<vmem>>)
        %mul3A_783 = arith.constant 80 : i32
        %mul3A_784 = arith.muli %add3A_649, %mul3A_783 : i32
        %dma_start3A_785 = tpu.memref_slice %arg9[%mul3A_784] : memref<10000xi32, #tpu.memory_space<vmem>> -> memref<80xi32, #tpu.memory_space<vmem>>
        %dma_start3A_786 = arith.constant 0 : i32
        %dma_start3A_787 = arith.constant 0 : i32
        %dma_start3A_788 = tpu.memref_slice %arg2[%dma_start3A_786, %dma_start3A_787] : memref<10000x128xbf16, #tpu.memory_space<hbm>> -> memref<10000x128xbf16, #tpu.memory_space<hbm>>
        tpu.enqueue_indirect_dma source(%dma_start3A_788 : memref<10000x128xbf16, #tpu.memory_space<hbm>>) target(%arg16 : memref<80x128xbf16, #tpu.memory_space<vmem>>) offsets(%dma_start3A_785 : memref<80xi32, #tpu.memory_space<vmem>>) semaphore(%arg31 : memref<!tpu.dma_semaphore, #tpu.memory_space<semaphore_mem>>)
      } else {
      }
      %lt3A_658 = arith.constant 125 : i32
      %lt3A_659 = arith.cmpi slt, %add3A_649, %lt3A_658 : i32
      %lt3A_660 = arith.constant 5 : i32
      %lt3A_661 = arith.cmpi slt, %add3A_632, %lt3A_660 : i32
      %and3A_662 = arith.andi %lt3A_659, %lt3A_661 : i1
      %convert_element_type3A_663 = arith.extui %and3A_662 : i1 to i32
      %cond3A_664 = arith.constant 0 : i32
      %cond3A_665 = arith.cmpi ne, %convert_element_type3A_663, %cond3A_664 : i32
      scf.if %cond3A_665 {
        %mul3A_777 = arith.constant 80 : i32
        %mul3A_778 = arith.muli %add3A_649, %mul3A_777 : i32
        %dma_start3A_779 = tpu.memref_slice %arg9[%mul3A_778] : memref<10000xi32, #tpu.memory_space<vmem>> -> memref<80xi32, #tpu.memory_space<vmem>>
        %dma_start3A_780 = arith.constant 0 : i32
        %dma_start3A_781 = arith.constant 0 : i32
        %dma_start3A_782 = tpu.memref_slice %arg2[%dma_start3A_780, %dma_start3A_781] : memref<10000x128xbf16, #tpu.memory_space<hbm>> -> memref<10000x128xbf16, #tpu.memory_space<hbm>>
        tpu.enqueue_indirect_dma source(%dma_start3A_782 : memref<10000x128xbf16, #tpu.memory_space<hbm>>) target(%arg16 : memref<80x128xbf16, #tpu.memory_space<vmem>>) offsets(%dma_start3A_779 : memref<80xi32, #tpu.memory_space<vmem>>) semaphore(%arg31 : memref<!tpu.dma_semaphore, #tpu.memory_space<semaphore_mem>>)
      } else {
      }
      %mul3A_666 = arith.constant 13 : i32
      %mul3A_667 = arith.muli %scan3A_297, %mul3A_666 : i32
      %add3A_668 = arith.constant 10 : i32
      %add3A_669 = arith.addi %mul3A_667, %add3A_668 : i32
      %dma_wait3A_670 = arith.constant 0 : i32
      %dma_wait3A_671 = arith.constant 0 : i32
      %dma_wait3A_672 = tpu.memref_slice %arg2[%dma_wait3A_670, %dma_wait3A_671] : memref<10000x128xbf16, #tpu.memory_space<hbm>> -> memref<80x128xbf16, #tpu.memory_space<hbm>>
      %dma_wait3A_673 = arith.constant 0 : i32
      %dma_wait3A_674 = arith.constant 0 : i32
      %dma_wait3A_675 = tpu.memref_slice %arg2[%dma_wait3A_673, %dma_wait3A_674] : memref<10000x128xbf16, #tpu.memory_space<hbm>> -> memref<80x128xbf16, #tpu.memory_space<hbm>>
      tpu.wait_dma2 semaphore(%arg37 : memref<!tpu.dma_semaphore, #tpu.memory_space<semaphore_mem>>) src(%dma_wait3A_675 : memref<80x128xbf16, #tpu.memory_space<hbm>>) dst(%arg12 : memref<80x128xbf16, #tpu.memory_space<vmem>>)
      %mul3A_676 = arith.constant 80 : i32
      %mul3A_677 = arith.muli %add3A_669, %mul3A_676 : i32
      %dma_start3A_678 = tpu.memref_slice %arg10[%mul3A_677] : memref<10000xi32, #tpu.memory_space<vmem>> -> memref<80xi32, #tpu.memory_space<vmem>>
      %dma_start3A_679 = arith.constant 0 : i32
      %dma_start3A_680 = arith.constant 0 : i32
      %dma_start3A_681 = tpu.memref_slice %arg25[%dma_start3A_679, %dma_start3A_680] : memref<10000x128xbf16, #tpu.memory_space<vmem_shared>> -> memref<10000x128xbf16, #tpu.memory_space<vmem_shared>>
      tpu.enqueue_indirect_dma source(%arg22 : memref<80x128xbf16, #tpu.memory_space<vmem>>) target(%dma_start3A_681 : memref<10000x128xbf16, #tpu.memory_space<vmem_shared>>) offsets(%dma_start3A_678 : memref<80xi32, #tpu.memory_space<vmem>>) semaphore(%arg50 : memref<!tpu.dma_semaphore, #tpu.memory_space<semaphore_mem>>) {add = true}
      %dma_start3A_682 = tpu.memref_slice %arg10[%mul3A_677] : memref<10000xi32, #tpu.memory_space<vmem>> -> memref<80xi32, #tpu.memory_space<vmem>>
      %dma_start3A_683 = arith.constant 0 : i32
      %dma_start3A_684 = tpu.memref_slice %arg26[%dma_start3A_683] : memref<10240xf32, #tpu.memory_space<vmem_shared>> -> memref<10240xf32, #tpu.memory_space<vmem_shared>>
      tpu.enqueue_indirect_dma source(%arg11 : memref<80xf32, #tpu.memory_space<vmem>>) target(%dma_start3A_684 : memref<10240xf32, #tpu.memory_space<vmem_shared>>) offsets(%dma_start3A_682 : memref<80xi32, #tpu.memory_space<vmem>>) semaphore(%arg53 : memref<!tpu.dma_semaphore, #tpu.memory_space<semaphore_mem>>) {add = true}
      %add3A_685 = arith.constant 8 : i32
      %add3A_686 = arith.addi %add3A_669, %add3A_685 : i32
      %lt3A_687 = arith.constant 125 : i32
      %lt3A_688 = arith.cmpi slt, %add3A_686, %lt3A_687 : i32
      %ge3A_689 = arith.constant 5 : i32
      %ge3A_690 = arith.cmpi sge, %add3A_669, %ge3A_689 : i32
      %and3A_691 = arith.andi %lt3A_688, %ge3A_690 : i1
      %convert_element_type3A_692 = arith.extui %and3A_691 : i1 to i32
      %cond3A_693 = arith.constant 0 : i32
      %cond3A_694 = arith.cmpi ne, %convert_element_type3A_692, %cond3A_693 : i32
      scf.if %cond3A_694 {
        %dma_wait3A_777 = arith.constant 0 : i32
        %dma_wait3A_778 = arith.constant 0 : i32
        %dma_wait3A_779 = tpu.memref_slice %arg2[%dma_wait3A_777, %dma_wait3A_778] : memref<10000x128xbf16, #tpu.memory_space<hbm>> -> memref<80x128xbf16, #tpu.memory_space<hbm>>
        %dma_wait3A_780 = arith.constant 0 : i32
        %dma_wait3A_781 = arith.constant 0 : i32
        %dma_wait3A_782 = tpu.memref_slice %arg2[%dma_wait3A_780, %dma_wait3A_781] : memref<10000x128xbf16, #tpu.memory_space<hbm>> -> memref<80x128xbf16, #tpu.memory_space<hbm>>
        tpu.wait_dma2 semaphore(%arg45 : memref<!tpu.dma_semaphore, #tpu.memory_space<semaphore_mem>>) src(%dma_wait3A_782 : memref<80x128xbf16, #tpu.memory_space<hbm>>) dst(%arg12 : memref<80x128xbf16, #tpu.memory_space<vmem>>)
        %mul3A_783 = arith.constant 80 : i32
        %mul3A_784 = arith.muli %add3A_686, %mul3A_783 : i32
        %dma_start3A_785 = tpu.memref_slice %arg9[%mul3A_784] : memref<10000xi32, #tpu.memory_space<vmem>> -> memref<80xi32, #tpu.memory_space<vmem>>
        %dma_start3A_786 = arith.constant 0 : i32
        %dma_start3A_787 = arith.constant 0 : i32
        %dma_start3A_788 = tpu.memref_slice %arg2[%dma_start3A_786, %dma_start3A_787] : memref<10000x128xbf16, #tpu.memory_space<hbm>> -> memref<10000x128xbf16, #tpu.memory_space<hbm>>
        tpu.enqueue_indirect_dma source(%dma_start3A_788 : memref<10000x128xbf16, #tpu.memory_space<hbm>>) target(%arg17 : memref<80x128xbf16, #tpu.memory_space<vmem>>) offsets(%dma_start3A_785 : memref<80xi32, #tpu.memory_space<vmem>>) semaphore(%arg32 : memref<!tpu.dma_semaphore, #tpu.memory_space<semaphore_mem>>)
      } else {
      }
      %lt3A_695 = arith.constant 125 : i32
      %lt3A_696 = arith.cmpi slt, %add3A_686, %lt3A_695 : i32
      %lt3A_697 = arith.constant 5 : i32
      %lt3A_698 = arith.cmpi slt, %add3A_669, %lt3A_697 : i32
      %and3A_699 = arith.andi %lt3A_696, %lt3A_698 : i1
      %convert_element_type3A_700 = arith.extui %and3A_699 : i1 to i32
      %cond3A_701 = arith.constant 0 : i32
      %cond3A_702 = arith.cmpi ne, %convert_element_type3A_700, %cond3A_701 : i32
      scf.if %cond3A_702 {
        %mul3A_777 = arith.constant 80 : i32
        %mul3A_778 = arith.muli %add3A_686, %mul3A_777 : i32
        %dma_start3A_779 = tpu.memref_slice %arg9[%mul3A_778] : memref<10000xi32, #tpu.memory_space<vmem>> -> memref<80xi32, #tpu.memory_space<vmem>>
        %dma_start3A_780 = arith.constant 0 : i32
        %dma_start3A_781 = arith.constant 0 : i32
        %dma_start3A_782 = tpu.memref_slice %arg2[%dma_start3A_780, %dma_start3A_781] : memref<10000x128xbf16, #tpu.memory_space<hbm>> -> memref<10000x128xbf16, #tpu.memory_space<hbm>>
        tpu.enqueue_indirect_dma source(%dma_start3A_782 : memref<10000x128xbf16, #tpu.memory_space<hbm>>) target(%arg17 : memref<80x128xbf16, #tpu.memory_space<vmem>>) offsets(%dma_start3A_779 : memref<80xi32, #tpu.memory_space<vmem>>) semaphore(%arg32 : memref<!tpu.dma_semaphore, #tpu.memory_space<semaphore_mem>>)
      } else {
      }
      %mul3A_703 = arith.constant 13 : i32
      %mul3A_704 = arith.muli %scan3A_297, %mul3A_703 : i32
      %add3A_705 = arith.constant 11 : i32
      %add3A_706 = arith.addi %mul3A_704, %add3A_705 : i32
      %dma_wait3A_707 = arith.constant 0 : i32
      %dma_wait3A_708 = arith.constant 0 : i32
      %dma_wait3A_709 = tpu.memref_slice %arg2[%dma_wait3A_707, %dma_wait3A_708] : memref<10000x128xbf16, #tpu.memory_space<hbm>> -> memref<80x128xbf16, #tpu.memory_space<hbm>>
      %dma_wait3A_710 = arith.constant 0 : i32
      %dma_wait3A_711 = arith.constant 0 : i32
      %dma_wait3A_712 = tpu.memref_slice %arg2[%dma_wait3A_710, %dma_wait3A_711] : memref<10000x128xbf16, #tpu.memory_space<hbm>> -> memref<80x128xbf16, #tpu.memory_space<hbm>>
      tpu.wait_dma2 semaphore(%arg38 : memref<!tpu.dma_semaphore, #tpu.memory_space<semaphore_mem>>) src(%dma_wait3A_712 : memref<80x128xbf16, #tpu.memory_space<hbm>>) dst(%arg12 : memref<80x128xbf16, #tpu.memory_space<vmem>>)
      %mul3A_713 = arith.constant 80 : i32
      %mul3A_714 = arith.muli %add3A_706, %mul3A_713 : i32
      %dma_start3A_715 = tpu.memref_slice %arg10[%mul3A_714] : memref<10000xi32, #tpu.memory_space<vmem>> -> memref<80xi32, #tpu.memory_space<vmem>>
      %dma_start3A_716 = arith.constant 0 : i32
      %dma_start3A_717 = arith.constant 0 : i32
      %dma_start3A_718 = tpu.memref_slice %arg25[%dma_start3A_716, %dma_start3A_717] : memref<10000x128xbf16, #tpu.memory_space<vmem_shared>> -> memref<10000x128xbf16, #tpu.memory_space<vmem_shared>>
      tpu.enqueue_indirect_dma source(%arg23 : memref<80x128xbf16, #tpu.memory_space<vmem>>) target(%dma_start3A_718 : memref<10000x128xbf16, #tpu.memory_space<vmem_shared>>) offsets(%dma_start3A_715 : memref<80xi32, #tpu.memory_space<vmem>>) semaphore(%arg51 : memref<!tpu.dma_semaphore, #tpu.memory_space<semaphore_mem>>) {add = true}
      %dma_start3A_719 = tpu.memref_slice %arg10[%mul3A_714] : memref<10000xi32, #tpu.memory_space<vmem>> -> memref<80xi32, #tpu.memory_space<vmem>>
      %dma_start3A_720 = arith.constant 0 : i32
      %dma_start3A_721 = tpu.memref_slice %arg26[%dma_start3A_720] : memref<10240xf32, #tpu.memory_space<vmem_shared>> -> memref<10240xf32, #tpu.memory_space<vmem_shared>>
      tpu.enqueue_indirect_dma source(%arg11 : memref<80xf32, #tpu.memory_space<vmem>>) target(%dma_start3A_721 : memref<10240xf32, #tpu.memory_space<vmem_shared>>) offsets(%dma_start3A_719 : memref<80xi32, #tpu.memory_space<vmem>>) semaphore(%arg53 : memref<!tpu.dma_semaphore, #tpu.memory_space<semaphore_mem>>) {add = true}
      %add3A_722 = arith.constant 8 : i32
      %add3A_723 = arith.addi %add3A_706, %add3A_722 : i32
      %lt3A_724 = arith.constant 125 : i32
      %lt3A_725 = arith.cmpi slt, %add3A_723, %lt3A_724 : i32
      %ge3A_726 = arith.constant 5 : i32
      %ge3A_727 = arith.cmpi sge, %add3A_706, %ge3A_726 : i32
      %and3A_728 = arith.andi %lt3A_725, %ge3A_727 : i1
      %convert_element_type3A_729 = arith.extui %and3A_728 : i1 to i32
      %cond3A_730 = arith.constant 0 : i32
      %cond3A_731 = arith.cmpi ne, %convert_element_type3A_729, %cond3A_730 : i32
      scf.if %cond3A_731 {
        %dma_wait3A_777 = arith.constant 0 : i32
        %dma_wait3A_778 = arith.constant 0 : i32
        %dma_wait3A_779 = tpu.memref_slice %arg2[%dma_wait3A_777, %dma_wait3A_778] : memref<10000x128xbf16, #tpu.memory_space<hbm>> -> memref<80x128xbf16, #tpu.memory_space<hbm>>
        %dma_wait3A_780 = arith.constant 0 : i32
        %dma_wait3A_781 = arith.constant 0 : i32
        %dma_wait3A_782 = tpu.memref_slice %arg2[%dma_wait3A_780, %dma_wait3A_781] : memref<10000x128xbf16, #tpu.memory_space<hbm>> -> memref<80x128xbf16, #tpu.memory_space<hbm>>
        tpu.wait_dma2 semaphore(%arg46 : memref<!tpu.dma_semaphore, #tpu.memory_space<semaphore_mem>>) src(%dma_wait3A_782 : memref<80x128xbf16, #tpu.memory_space<hbm>>) dst(%arg12 : memref<80x128xbf16, #tpu.memory_space<vmem>>)
        %mul3A_783 = arith.constant 80 : i32
        %mul3A_784 = arith.muli %add3A_723, %mul3A_783 : i32
        %dma_start3A_785 = tpu.memref_slice %arg9[%mul3A_784] : memref<10000xi32, #tpu.memory_space<vmem>> -> memref<80xi32, #tpu.memory_space<vmem>>
        %dma_start3A_786 = arith.constant 0 : i32
        %dma_start3A_787 = arith.constant 0 : i32
        %dma_start3A_788 = tpu.memref_slice %arg2[%dma_start3A_786, %dma_start3A_787] : memref<10000x128xbf16, #tpu.memory_space<hbm>> -> memref<10000x128xbf16, #tpu.memory_space<hbm>>
        tpu.enqueue_indirect_dma source(%dma_start3A_788 : memref<10000x128xbf16, #tpu.memory_space<hbm>>) target(%arg18 : memref<80x128xbf16, #tpu.memory_space<vmem>>) offsets(%dma_start3A_785 : memref<80xi32, #tpu.memory_space<vmem>>) semaphore(%arg33 : memref<!tpu.dma_semaphore, #tpu.memory_space<semaphore_mem>>)
      } else {
      }
      %lt3A_732 = arith.constant 125 : i32
      %lt3A_733 = arith.cmpi slt, %add3A_723, %lt3A_732 : i32
      %lt3A_734 = arith.constant 5 : i32
      %lt3A_735 = arith.cmpi slt, %add3A_706, %lt3A_734 : i32
      %and3A_736 = arith.andi %lt3A_733, %lt3A_735 : i1
      %convert_element_type3A_737 = arith.extui %and3A_736 : i1 to i32
      %cond3A_738 = arith.constant 0 : i32
      %cond3A_739 = arith.cmpi ne, %convert_element_type3A_737, %cond3A_738 : i32
      scf.if %cond3A_739 {
        %mul3A_777 = arith.constant 80 : i32
        %mul3A_778 = arith.muli %add3A_723, %mul3A_777 : i32
        %dma_start3A_779 = tpu.memref_slice %arg9[%mul3A_778] : memref<10000xi32, #tpu.memory_space<vmem>> -> memref<80xi32, #tpu.memory_space<vmem>>
        %dma_start3A_780 = arith.constant 0 : i32
        %dma_start3A_781 = arith.constant 0 : i32
        %dma_start3A_782 = tpu.memref_slice %arg2[%dma_start3A_780, %dma_start3A_781] : memref<10000x128xbf16, #tpu.memory_space<hbm>> -> memref<10000x128xbf16, #tpu.memory_space<hbm>>
        tpu.enqueue_indirect_dma source(%dma_start3A_782 : memref<10000x128xbf16, #tpu.memory_space<hbm>>) target(%arg18 : memref<80x128xbf16, #tpu.memory_space<vmem>>) offsets(%dma_start3A_779 : memref<80xi32, #tpu.memory_space<vmem>>) semaphore(%arg33 : memref<!tpu.dma_semaphore, #tpu.memory_space<semaphore_mem>>)
      } else {
      }
      %mul3A_740 = arith.constant 13 : i32
      %mul3A_741 = arith.muli %scan3A_297, %mul3A_740 : i32
      %add3A_742 = arith.constant 12 : i32
      %add3A_743 = arith.addi %mul3A_741, %add3A_742 : i32
      %dma_wait3A_744 = arith.constant 0 : i32
      %dma_wait3A_745 = arith.constant 0 : i32
      %dma_wait3A_746 = tpu.memref_slice %arg2[%dma_wait3A_744, %dma_wait3A_745] : memref<10000x128xbf16, #tpu.memory_space<hbm>> -> memref<80x128xbf16, #tpu.memory_space<hbm>>
      %dma_wait3A_747 = arith.constant 0 : i32
      %dma_wait3A_748 = arith.constant 0 : i32
      %dma_wait3A_749 = tpu.memref_slice %arg2[%dma_wait3A_747, %dma_wait3A_748] : memref<10000x128xbf16, #tpu.memory_space<hbm>> -> memref<80x128xbf16, #tpu.memory_space<hbm>>
      tpu.wait_dma2 semaphore(%arg39 : memref<!tpu.dma_semaphore, #tpu.memory_space<semaphore_mem>>) src(%dma_wait3A_749 : memref<80x128xbf16, #tpu.memory_space<hbm>>) dst(%arg12 : memref<80x128xbf16, #tpu.memory_space<vmem>>)
      %mul3A_750 = arith.constant 80 : i32
      %mul3A_751 = arith.muli %add3A_743, %mul3A_750 : i32
      %dma_start3A_752 = tpu.memref_slice %arg10[%mul3A_751] : memref<10000xi32, #tpu.memory_space<vmem>> -> memref<80xi32, #tpu.memory_space<vmem>>
      %dma_start3A_753 = arith.constant 0 : i32
      %dma_start3A_754 = arith.constant 0 : i32
      %dma_start3A_755 = tpu.memref_slice %arg25[%dma_start3A_753, %dma_start3A_754] : memref<10000x128xbf16, #tpu.memory_space<vmem_shared>> -> memref<10000x128xbf16, #tpu.memory_space<vmem_shared>>
      tpu.enqueue_indirect_dma source(%arg24 : memref<80x128xbf16, #tpu.memory_space<vmem>>) target(%dma_start3A_755 : memref<10000x128xbf16, #tpu.memory_space<vmem_shared>>) offsets(%dma_start3A_752 : memref<80xi32, #tpu.memory_space<vmem>>) semaphore(%arg52 : memref<!tpu.dma_semaphore, #tpu.memory_space<semaphore_mem>>) {add = true}
      %dma_start3A_756 = tpu.memref_slice %arg10[%mul3A_751] : memref<10000xi32, #tpu.memory_space<vmem>> -> memref<80xi32, #tpu.memory_space<vmem>>
      %dma_start3A_757 = arith.constant 0 : i32
      %dma_start3A_758 = tpu.memref_slice %arg26[%dma_start3A_757] : memref<10240xf32, #tpu.memory_space<vmem_shared>> -> memref<10240xf32, #tpu.memory_space<vmem_shared>>
      tpu.enqueue_indirect_dma source(%arg11 : memref<80xf32, #tpu.memory_space<vmem>>) target(%dma_start3A_758 : memref<10240xf32, #tpu.memory_space<vmem_shared>>) offsets(%dma_start3A_756 : memref<80xi32, #tpu.memory_space<vmem>>) semaphore(%arg53 : memref<!tpu.dma_semaphore, #tpu.memory_space<semaphore_mem>>) {add = true}
      %add3A_759 = arith.constant 8 : i32
      %add3A_760 = arith.addi %add3A_743, %add3A_759 : i32
      %lt3A_761 = arith.constant 125 : i32
      %lt3A_762 = arith.cmpi slt, %add3A_760, %lt3A_761 : i32
      %ge3A_763 = arith.constant 5 : i32
      %ge3A_764 = arith.cmpi sge, %add3A_743, %ge3A_763 : i32
      %and3A_765 = arith.andi %lt3A_762, %ge3A_764 : i1
      %convert_element_type3A_766 = arith.extui %and3A_765 : i1 to i32
      %cond3A_767 = arith.constant 0 : i32
      %cond3A_768 = arith.cmpi ne, %convert_element_type3A_766, %cond3A_767 : i32
      scf.if %cond3A_768 {
        %dma_wait3A_777 = arith.constant 0 : i32
        %dma_wait3A_778 = arith.constant 0 : i32
        %dma_wait3A_779 = tpu.memref_slice %arg2[%dma_wait3A_777, %dma_wait3A_778] : memref<10000x128xbf16, #tpu.memory_space<hbm>> -> memref<80x128xbf16, #tpu.memory_space<hbm>>
        %dma_wait3A_780 = arith.constant 0 : i32
        %dma_wait3A_781 = arith.constant 0 : i32
        %dma_wait3A_782 = tpu.memref_slice %arg2[%dma_wait3A_780, %dma_wait3A_781] : memref<10000x128xbf16, #tpu.memory_space<hbm>> -> memref<80x128xbf16, #tpu.memory_space<hbm>>
        tpu.wait_dma2 semaphore(%arg47 : memref<!tpu.dma_semaphore, #tpu.memory_space<semaphore_mem>>) src(%dma_wait3A_782 : memref<80x128xbf16, #tpu.memory_space<hbm>>) dst(%arg12 : memref<80x128xbf16, #tpu.memory_space<vmem>>)
        %mul3A_783 = arith.constant 80 : i32
        %mul3A_784 = arith.muli %add3A_760, %mul3A_783 : i32
        %dma_start3A_785 = tpu.memref_slice %arg9[%mul3A_784] : memref<10000xi32, #tpu.memory_space<vmem>> -> memref<80xi32, #tpu.memory_space<vmem>>
        %dma_start3A_786 = arith.constant 0 : i32
        %dma_start3A_787 = arith.constant 0 : i32
        %dma_start3A_788 = tpu.memref_slice %arg2[%dma_start3A_786, %dma_start3A_787] : memref<10000x128xbf16, #tpu.memory_space<hbm>> -> memref<10000x128xbf16, #tpu.memory_space<hbm>>
        tpu.enqueue_indirect_dma source(%dma_start3A_788 : memref<10000x128xbf16, #tpu.memory_space<hbm>>) target(%arg19 : memref<80x128xbf16, #tpu.memory_space<vmem>>) offsets(%dma_start3A_785 : memref<80xi32, #tpu.memory_space<vmem>>) semaphore(%arg34 : memref<!tpu.dma_semaphore, #tpu.memory_space<semaphore_mem>>)
      } else {
      }
      %lt3A_769 = arith.constant 125 : i32
      %lt3A_770 = arith.cmpi slt, %add3A_760, %lt3A_769 : i32
      %lt3A_771 = arith.constant 5 : i32
      %lt3A_772 = arith.cmpi slt, %add3A_743, %lt3A_771 : i32
      %and3A_773 = arith.andi %lt3A_770, %lt3A_772 : i1
      %convert_element_type3A_774 = arith.extui %and3A_773 : i1 to i32
      %cond3A_775 = arith.constant 0 : i32
      %cond3A_776 = arith.cmpi ne, %convert_element_type3A_774, %cond3A_775 : i32
      scf.if %cond3A_776 {
        %mul3A_777 = arith.constant 80 : i32
        %mul3A_778 = arith.muli %add3A_760, %mul3A_777 : i32
        %dma_start3A_779 = tpu.memref_slice %arg9[%mul3A_778] : memref<10000xi32, #tpu.memory_space<vmem>> -> memref<80xi32, #tpu.memory_space<vmem>>
        %dma_start3A_780 = arith.constant 0 : i32
        %dma_start3A_781 = arith.constant 0 : i32
        %dma_start3A_782 = tpu.memref_slice %arg2[%dma_start3A_780, %dma_start3A_781] : memref<10000x128xbf16, #tpu.memory_space<hbm>> -> memref<10000x128xbf16, #tpu.memory_space<hbm>>
        tpu.enqueue_indirect_dma source(%dma_start3A_782 : memref<10000x128xbf16, #tpu.memory_space<hbm>>) target(%arg19 : memref<80x128xbf16, #tpu.memory_space<vmem>>) offsets(%dma_start3A_779 : memref<80xi32, #tpu.memory_space<vmem>>) semaphore(%arg34 : memref<!tpu.dma_semaphore, #tpu.memory_space<semaphore_mem>>)
      } else {
      }
    }
    %scan3A_80 = arith.constant 9 : i32
    %dma_wait3A = arith.constant 0 : i32
    %dma_wait3A_81 = arith.constant 0 : i32
    %dma_wait3A_82 = tpu.memref_slice %arg2[%dma_wait3A, %dma_wait3A_81] : memref<10000x128xbf16, #tpu.memory_space<hbm>> -> memref<80x128xbf16, #tpu.memory_space<hbm>>
    %dma_wait3A_83 = arith.constant 0 : i32
    %dma_wait3A_84 = arith.constant 0 : i32
    %dma_wait3A_85 = tpu.memref_slice %arg2[%dma_wait3A_83, %dma_wait3A_84] : memref<10000x128xbf16, #tpu.memory_space<hbm>> -> memref<80x128xbf16, #tpu.memory_space<hbm>>
    tpu.wait_dma2 semaphore(%arg27 : memref<!tpu.dma_semaphore, #tpu.memory_space<semaphore_mem>>) src(%dma_wait3A_85 : memref<80x128xbf16, #tpu.memory_space<hbm>>) dst(%arg12 : memref<80x128xbf16, #tpu.memory_space<vmem>>)
    %dma_start3A_86 = arith.constant 9360 : i32
    %dma_start3A_87 = tpu.memref_slice %arg10[%dma_start3A_86] : memref<10000xi32, #tpu.memory_space<vmem>> -> memref<80xi32, #tpu.memory_space<vmem>>
    %dma_start3A_88 = arith.constant 0 : i32
    %dma_start3A_89 = arith.constant 0 : i32
    %dma_start3A_90 = tpu.memref_slice %arg25[%dma_start3A_88, %dma_start3A_89] : memref<10000x128xbf16, #tpu.memory_space<vmem_shared>> -> memref<10000x128xbf16, #tpu.memory_space<vmem_shared>>
    tpu.enqueue_indirect_dma source(%arg12 : memref<80x128xbf16, #tpu.memory_space<vmem>>) target(%dma_start3A_90 : memref<10000x128xbf16, #tpu.memory_space<vmem_shared>>) offsets(%dma_start3A_87 : memref<80xi32, #tpu.memory_space<vmem>>) semaphore(%arg40 : memref<!tpu.dma_semaphore, #tpu.memory_space<semaphore_mem>>) {add = true}
    %dma_start3A_91 = arith.constant 9360 : i32
    %dma_start3A_92 = tpu.memref_slice %arg10[%dma_start3A_91] : memref<10000xi32, #tpu.memory_space<vmem>> -> memref<80xi32, #tpu.memory_space<vmem>>
    %dma_start3A_93 = arith.constant 0 : i32
    %dma_start3A_94 = tpu.memref_slice %arg26[%dma_start3A_93] : memref<10240xf32, #tpu.memory_space<vmem_shared>> -> memref<10240xf32, #tpu.memory_space<vmem_shared>>
    tpu.enqueue_indirect_dma source(%arg11 : memref<80xf32, #tpu.memory_space<vmem>>) target(%dma_start3A_94 : memref<10240xf32, #tpu.memory_space<vmem_shared>>) offsets(%dma_start3A_92 : memref<80xi32, #tpu.memory_space<vmem>>) semaphore(%arg53 : memref<!tpu.dma_semaphore, #tpu.memory_space<semaphore_mem>>) {add = true}
    %dma_wait3A_95 = arith.constant 0 : i32
    %dma_wait3A_96 = arith.constant 0 : i32
    %dma_wait3A_97 = tpu.memref_slice %arg2[%dma_wait3A_95, %dma_wait3A_96] : memref<10000x128xbf16, #tpu.memory_space<hbm>> -> memref<80x128xbf16, #tpu.memory_space<hbm>>
    %dma_wait3A_98 = arith.constant 0 : i32
    %dma_wait3A_99 = arith.constant 0 : i32
    %dma_wait3A_100 = tpu.memref_slice %arg2[%dma_wait3A_98, %dma_wait3A_99] : memref<10000x128xbf16, #tpu.memory_space<hbm>> -> memref<80x128xbf16, #tpu.memory_space<hbm>>
    tpu.wait_dma2 semaphore(%arg28 : memref<!tpu.dma_semaphore, #tpu.memory_space<semaphore_mem>>) src(%dma_wait3A_100 : memref<80x128xbf16, #tpu.memory_space<hbm>>) dst(%arg12 : memref<80x128xbf16, #tpu.memory_space<vmem>>)
    %dma_start3A_101 = arith.constant 9440 : i32
    %dma_start3A_102 = tpu.memref_slice %arg10[%dma_start3A_101] : memref<10000xi32, #tpu.memory_space<vmem>> -> memref<80xi32, #tpu.memory_space<vmem>>
    %dma_start3A_103 = arith.constant 0 : i32
    %dma_start3A_104 = arith.constant 0 : i32
    %dma_start3A_105 = tpu.memref_slice %arg25[%dma_start3A_103, %dma_start3A_104] : memref<10000x128xbf16, #tpu.memory_space<vmem_shared>> -> memref<10000x128xbf16, #tpu.memory_space<vmem_shared>>
    tpu.enqueue_indirect_dma source(%arg13 : memref<80x128xbf16, #tpu.memory_space<vmem>>) target(%dma_start3A_105 : memref<10000x128xbf16, #tpu.memory_space<vmem_shared>>) offsets(%dma_start3A_102 : memref<80xi32, #tpu.memory_space<vmem>>) semaphore(%arg41 : memref<!tpu.dma_semaphore, #tpu.memory_space<semaphore_mem>>) {add = true}
    %dma_start3A_106 = arith.constant 9440 : i32
    %dma_start3A_107 = tpu.memref_slice %arg10[%dma_start3A_106] : memref<10000xi32, #tpu.memory_space<vmem>> -> memref<80xi32, #tpu.memory_space<vmem>>
    %dma_start3A_108 = arith.constant 0 : i32
    %dma_start3A_109 = tpu.memref_slice %arg26[%dma_start3A_108] : memref<10240xf32, #tpu.memory_space<vmem_shared>> -> memref<10240xf32, #tpu.memory_space<vmem_shared>>
    tpu.enqueue_indirect_dma source(%arg11 : memref<80xf32, #tpu.memory_space<vmem>>) target(%dma_start3A_109 : memref<10240xf32, #tpu.memory_space<vmem_shared>>) offsets(%dma_start3A_107 : memref<80xi32, #tpu.memory_space<vmem>>) semaphore(%arg53 : memref<!tpu.dma_semaphore, #tpu.memory_space<semaphore_mem>>) {add = true}
    %dma_wait3A_110 = arith.constant 0 : i32
    %dma_wait3A_111 = arith.constant 0 : i32
    %dma_wait3A_112 = tpu.memref_slice %arg2[%dma_wait3A_110, %dma_wait3A_111] : memref<10000x128xbf16, #tpu.memory_space<hbm>> -> memref<80x128xbf16, #tpu.memory_space<hbm>>
    %dma_wait3A_113 = arith.constant 0 : i32
    %dma_wait3A_114 = arith.constant 0 : i32
    %dma_wait3A_115 = tpu.memref_slice %arg2[%dma_wait3A_113, %dma_wait3A_114] : memref<10000x128xbf16, #tpu.memory_space<hbm>> -> memref<80x128xbf16, #tpu.memory_space<hbm>>
    tpu.wait_dma2 semaphore(%arg29 : memref<!tpu.dma_semaphore, #tpu.memory_space<semaphore_mem>>) src(%dma_wait3A_115 : memref<80x128xbf16, #tpu.memory_space<hbm>>) dst(%arg12 : memref<80x128xbf16, #tpu.memory_space<vmem>>)
    %dma_start3A_116 = arith.constant 9520 : i32
    %dma_start3A_117 = tpu.memref_slice %arg10[%dma_start3A_116] : memref<10000xi32, #tpu.memory_space<vmem>> -> memref<80xi32, #tpu.memory_space<vmem>>
    %dma_start3A_118 = arith.constant 0 : i32
    %dma_start3A_119 = arith.constant 0 : i32
    %dma_start3A_120 = tpu.memref_slice %arg25[%dma_start3A_118, %dma_start3A_119] : memref<10000x128xbf16, #tpu.memory_space<vmem_shared>> -> memref<10000x128xbf16, #tpu.memory_space<vmem_shared>>
    tpu.enqueue_indirect_dma source(%arg14 : memref<80x128xbf16, #tpu.memory_space<vmem>>) target(%dma_start3A_120 : memref<10000x128xbf16, #tpu.memory_space<vmem_shared>>) offsets(%dma_start3A_117 : memref<80xi32, #tpu.memory_space<vmem>>) semaphore(%arg42 : memref<!tpu.dma_semaphore, #tpu.memory_space<semaphore_mem>>) {add = true}
    %dma_start3A_121 = arith.constant 9520 : i32
    %dma_start3A_122 = tpu.memref_slice %arg10[%dma_start3A_121] : memref<10000xi32, #tpu.memory_space<vmem>> -> memref<80xi32, #tpu.memory_space<vmem>>
    %dma_start3A_123 = arith.constant 0 : i32
    %dma_start3A_124 = tpu.memref_slice %arg26[%dma_start3A_123] : memref<10240xf32, #tpu.memory_space<vmem_shared>> -> memref<10240xf32, #tpu.memory_space<vmem_shared>>
    tpu.enqueue_indirect_dma source(%arg11 : memref<80xf32, #tpu.memory_space<vmem>>) target(%dma_start3A_124 : memref<10240xf32, #tpu.memory_space<vmem_shared>>) offsets(%dma_start3A_122 : memref<80xi32, #tpu.memory_space<vmem>>) semaphore(%arg53 : memref<!tpu.dma_semaphore, #tpu.memory_space<semaphore_mem>>) {add = true}
    %dma_wait3A_125 = arith.constant 0 : i32
    %dma_wait3A_126 = arith.constant 0 : i32
    %dma_wait3A_127 = tpu.memref_slice %arg2[%dma_wait3A_125, %dma_wait3A_126] : memref<10000x128xbf16, #tpu.memory_space<hbm>> -> memref<80x128xbf16, #tpu.memory_space<hbm>>
    %dma_wait3A_128 = arith.constant 0 : i32
    %dma_wait3A_129 = arith.constant 0 : i32
    %dma_wait3A_130 = tpu.memref_slice %arg2[%dma_wait3A_128, %dma_wait3A_129] : memref<10000x128xbf16, #tpu.memory_space<hbm>> -> memref<80x128xbf16, #tpu.memory_space<hbm>>
    tpu.wait_dma2 semaphore(%arg30 : memref<!tpu.dma_semaphore, #tpu.memory_space<semaphore_mem>>) src(%dma_wait3A_130 : memref<80x128xbf16, #tpu.memory_space<hbm>>) dst(%arg12 : memref<80x128xbf16, #tpu.memory_space<vmem>>)
    %dma_start3A_131 = arith.constant 9600 : i32
    %dma_start3A_132 = tpu.memref_slice %arg10[%dma_start3A_131] : memref<10000xi32, #tpu.memory_space<vmem>> -> memref<80xi32, #tpu.memory_space<vmem>>
    %dma_start3A_133 = arith.constant 0 : i32
    %dma_start3A_134 = arith.constant 0 : i32
    %dma_start3A_135 = tpu.memref_slice %arg25[%dma_start3A_133, %dma_start3A_134] : memref<10000x128xbf16, #tpu.memory_space<vmem_shared>> -> memref<10000x128xbf16, #tpu.memory_space<vmem_shared>>
    tpu.enqueue_indirect_dma source(%arg15 : memref<80x128xbf16, #tpu.memory_space<vmem>>) target(%dma_start3A_135 : memref<10000x128xbf16, #tpu.memory_space<vmem_shared>>) offsets(%dma_start3A_132 : memref<80xi32, #tpu.memory_space<vmem>>) semaphore(%arg43 : memref<!tpu.dma_semaphore, #tpu.memory_space<semaphore_mem>>) {add = true}
    %dma_start3A_136 = arith.constant 9600 : i32
    %dma_start3A_137 = tpu.memref_slice %arg10[%dma_start3A_136] : memref<10000xi32, #tpu.memory_space<vmem>> -> memref<80xi32, #tpu.memory_space<vmem>>
    %dma_start3A_138 = arith.constant 0 : i32
    %dma_start3A_139 = tpu.memref_slice %arg26[%dma_start3A_138] : memref<10240xf32, #tpu.memory_space<vmem_shared>> -> memref<10240xf32, #tpu.memory_space<vmem_shared>>
    tpu.enqueue_indirect_dma source(%arg11 : memref<80xf32, #tpu.memory_space<vmem>>) target(%dma_start3A_139 : memref<10240xf32, #tpu.memory_space<vmem_shared>>) offsets(%dma_start3A_137 : memref<80xi32, #tpu.memory_space<vmem>>) semaphore(%arg53 : memref<!tpu.dma_semaphore, #tpu.memory_space<semaphore_mem>>) {add = true}
    %dma_wait3A_140 = arith.constant 0 : i32
    %dma_wait3A_141 = arith.constant 0 : i32
    %dma_wait3A_142 = tpu.memref_slice %arg2[%dma_wait3A_140, %dma_wait3A_141] : memref<10000x128xbf16, #tpu.memory_space<hbm>> -> memref<80x128xbf16, #tpu.memory_space<hbm>>
    %dma_wait3A_143 = arith.constant 0 : i32
    %dma_wait3A_144 = arith.constant 0 : i32
    %dma_wait3A_145 = tpu.memref_slice %arg2[%dma_wait3A_143, %dma_wait3A_144] : memref<10000x128xbf16, #tpu.memory_space<hbm>> -> memref<80x128xbf16, #tpu.memory_space<hbm>>
    tpu.wait_dma2 semaphore(%arg31 : memref<!tpu.dma_semaphore, #tpu.memory_space<semaphore_mem>>) src(%dma_wait3A_145 : memref<80x128xbf16, #tpu.memory_space<hbm>>) dst(%arg12 : memref<80x128xbf16, #tpu.memory_space<vmem>>)
    %dma_start3A_146 = arith.constant 9680 : i32
    %dma_start3A_147 = tpu.memref_slice %arg10[%dma_start3A_146] : memref<10000xi32, #tpu.memory_space<vmem>> -> memref<80xi32, #tpu.memory_space<vmem>>
    %dma_start3A_148 = arith.constant 0 : i32
    %dma_start3A_149 = arith.constant 0 : i32
    %dma_start3A_150 = tpu.memref_slice %arg25[%dma_start3A_148, %dma_start3A_149] : memref<10000x128xbf16, #tpu.memory_space<vmem_shared>> -> memref<10000x128xbf16, #tpu.memory_space<vmem_shared>>
    tpu.enqueue_indirect_dma source(%arg16 : memref<80x128xbf16, #tpu.memory_space<vmem>>) target(%dma_start3A_150 : memref<10000x128xbf16, #tpu.memory_space<vmem_shared>>) offsets(%dma_start3A_147 : memref<80xi32, #tpu.memory_space<vmem>>) semaphore(%arg44 : memref<!tpu.dma_semaphore, #tpu.memory_space<semaphore_mem>>) {add = true}
    %dma_start3A_151 = arith.constant 9680 : i32
    %dma_start3A_152 = tpu.memref_slice %arg10[%dma_start3A_151] : memref<10000xi32, #tpu.memory_space<vmem>> -> memref<80xi32, #tpu.memory_space<vmem>>
    %dma_start3A_153 = arith.constant 0 : i32
    %dma_start3A_154 = tpu.memref_slice %arg26[%dma_start3A_153] : memref<10240xf32, #tpu.memory_space<vmem_shared>> -> memref<10240xf32, #tpu.memory_space<vmem_shared>>
    tpu.enqueue_indirect_dma source(%arg11 : memref<80xf32, #tpu.memory_space<vmem>>) target(%dma_start3A_154 : memref<10240xf32, #tpu.memory_space<vmem_shared>>) offsets(%dma_start3A_152 : memref<80xi32, #tpu.memory_space<vmem>>) semaphore(%arg53 : memref<!tpu.dma_semaphore, #tpu.memory_space<semaphore_mem>>) {add = true}
    %dma_wait3A_155 = arith.constant 0 : i32
    %dma_wait3A_156 = arith.constant 0 : i32
    %dma_wait3A_157 = tpu.memref_slice %arg2[%dma_wait3A_155, %dma_wait3A_156] : memref<10000x128xbf16, #tpu.memory_space<hbm>> -> memref<80x128xbf16, #tpu.memory_space<hbm>>
    %dma_wait3A_158 = arith.constant 0 : i32
    %dma_wait3A_159 = arith.constant 0 : i32
    %dma_wait3A_160 = tpu.memref_slice %arg2[%dma_wait3A_158, %dma_wait3A_159] : memref<10000x128xbf16, #tpu.memory_space<hbm>> -> memref<80x128xbf16, #tpu.memory_space<hbm>>
    tpu.wait_dma2 semaphore(%arg32 : memref<!tpu.dma_semaphore, #tpu.memory_space<semaphore_mem>>) src(%dma_wait3A_160 : memref<80x128xbf16, #tpu.memory_space<hbm>>) dst(%arg12 : memref<80x128xbf16, #tpu.memory_space<vmem>>)
    %dma_start3A_161 = arith.constant 9760 : i32
    %dma_start3A_162 = tpu.memref_slice %arg10[%dma_start3A_161] : memref<10000xi32, #tpu.memory_space<vmem>> -> memref<80xi32, #tpu.memory_space<vmem>>
    %dma_start3A_163 = arith.constant 0 : i32
    %dma_start3A_164 = arith.constant 0 : i32
    %dma_start3A_165 = tpu.memref_slice %arg25[%dma_start3A_163, %dma_start3A_164] : memref<10000x128xbf16, #tpu.memory_space<vmem_shared>> -> memref<10000x128xbf16, #tpu.memory_space<vmem_shared>>
    tpu.enqueue_indirect_dma source(%arg17 : memref<80x128xbf16, #tpu.memory_space<vmem>>) target(%dma_start3A_165 : memref<10000x128xbf16, #tpu.memory_space<vmem_shared>>) offsets(%dma_start3A_162 : memref<80xi32, #tpu.memory_space<vmem>>) semaphore(%arg45 : memref<!tpu.dma_semaphore, #tpu.memory_space<semaphore_mem>>) {add = true}
    %dma_start3A_166 = arith.constant 9760 : i32
    %dma_start3A_167 = tpu.memref_slice %arg10[%dma_start3A_166] : memref<10000xi32, #tpu.memory_space<vmem>> -> memref<80xi32, #tpu.memory_space<vmem>>
    %dma_start3A_168 = arith.constant 0 : i32
    %dma_start3A_169 = tpu.memref_slice %arg26[%dma_start3A_168] : memref<10240xf32, #tpu.memory_space<vmem_shared>> -> memref<10240xf32, #tpu.memory_space<vmem_shared>>
    tpu.enqueue_indirect_dma source(%arg11 : memref<80xf32, #tpu.memory_space<vmem>>) target(%dma_start3A_169 : memref<10240xf32, #tpu.memory_space<vmem_shared>>) offsets(%dma_start3A_167 : memref<80xi32, #tpu.memory_space<vmem>>) semaphore(%arg53 : memref<!tpu.dma_semaphore, #tpu.memory_space<semaphore_mem>>) {add = true}
    %dma_wait3A_170 = arith.constant 0 : i32
    %dma_wait3A_171 = arith.constant 0 : i32
    %dma_wait3A_172 = tpu.memref_slice %arg2[%dma_wait3A_170, %dma_wait3A_171] : memref<10000x128xbf16, #tpu.memory_space<hbm>> -> memref<80x128xbf16, #tpu.memory_space<hbm>>
    %dma_wait3A_173 = arith.constant 0 : i32
    %dma_wait3A_174 = arith.constant 0 : i32
    %dma_wait3A_175 = tpu.memref_slice %arg2[%dma_wait3A_173, %dma_wait3A_174] : memref<10000x128xbf16, #tpu.memory_space<hbm>> -> memref<80x128xbf16, #tpu.memory_space<hbm>>
    tpu.wait_dma2 semaphore(%arg33 : memref<!tpu.dma_semaphore, #tpu.memory_space<semaphore_mem>>) src(%dma_wait3A_175 : memref<80x128xbf16, #tpu.memory_space<hbm>>) dst(%arg12 : memref<80x128xbf16, #tpu.memory_space<vmem>>)
    %dma_start3A_176 = arith.constant 9840 : i32
    %dma_start3A_177 = tpu.memref_slice %arg10[%dma_start3A_176] : memref<10000xi32, #tpu.memory_space<vmem>> -> memref<80xi32, #tpu.memory_space<vmem>>
    %dma_start3A_178 = arith.constant 0 : i32
    %dma_start3A_179 = arith.constant 0 : i32
    %dma_start3A_180 = tpu.memref_slice %arg25[%dma_start3A_178, %dma_start3A_179] : memref<10000x128xbf16, #tpu.memory_space<vmem_shared>> -> memref<10000x128xbf16, #tpu.memory_space<vmem_shared>>
    tpu.enqueue_indirect_dma source(%arg18 : memref<80x128xbf16, #tpu.memory_space<vmem>>) target(%dma_start3A_180 : memref<10000x128xbf16, #tpu.memory_space<vmem_shared>>) offsets(%dma_start3A_177 : memref<80xi32, #tpu.memory_space<vmem>>) semaphore(%arg46 : memref<!tpu.dma_semaphore, #tpu.memory_space<semaphore_mem>>) {add = true}
    %dma_start3A_181 = arith.constant 9840 : i32
    %dma_start3A_182 = tpu.memref_slice %arg10[%dma_start3A_181] : memref<10000xi32, #tpu.memory_space<vmem>> -> memref<80xi32, #tpu.memory_space<vmem>>
    %dma_start3A_183 = arith.constant 0 : i32
    %dma_start3A_184 = tpu.memref_slice %arg26[%dma_start3A_183] : memref<10240xf32, #tpu.memory_space<vmem_shared>> -> memref<10240xf32, #tpu.memory_space<vmem_shared>>
    tpu.enqueue_indirect_dma source(%arg11 : memref<80xf32, #tpu.memory_space<vmem>>) target(%dma_start3A_184 : memref<10240xf32, #tpu.memory_space<vmem_shared>>) offsets(%dma_start3A_182 : memref<80xi32, #tpu.memory_space<vmem>>) semaphore(%arg53 : memref<!tpu.dma_semaphore, #tpu.memory_space<semaphore_mem>>) {add = true}
    %dma_wait3A_185 = arith.constant 0 : i32
    %dma_wait3A_186 = arith.constant 0 : i32
    %dma_wait3A_187 = tpu.memref_slice %arg2[%dma_wait3A_185, %dma_wait3A_186] : memref<10000x128xbf16, #tpu.memory_space<hbm>> -> memref<80x128xbf16, #tpu.memory_space<hbm>>
    %dma_wait3A_188 = arith.constant 0 : i32
    %dma_wait3A_189 = arith.constant 0 : i32
    %dma_wait3A_190 = tpu.memref_slice %arg2[%dma_wait3A_188, %dma_wait3A_189] : memref<10000x128xbf16, #tpu.memory_space<hbm>> -> memref<80x128xbf16, #tpu.memory_space<hbm>>
    tpu.wait_dma2 semaphore(%arg34 : memref<!tpu.dma_semaphore, #tpu.memory_space<semaphore_mem>>) src(%dma_wait3A_190 : memref<80x128xbf16, #tpu.memory_space<hbm>>) dst(%arg12 : memref<80x128xbf16, #tpu.memory_space<vmem>>)
    %dma_start3A_191 = arith.constant 9920 : i32
    %dma_start3A_192 = tpu.memref_slice %arg10[%dma_start3A_191] : memref<10000xi32, #tpu.memory_space<vmem>> -> memref<80xi32, #tpu.memory_space<vmem>>
    %dma_start3A_193 = arith.constant 0 : i32
    %dma_start3A_194 = arith.constant 0 : i32
    %dma_start3A_195 = tpu.memref_slice %arg25[%dma_start3A_193, %dma_start3A_194] : memref<10000x128xbf16, #tpu.memory_space<vmem_shared>> -> memref<10000x128xbf16, #tpu.memory_space<vmem_shared>>
    tpu.enqueue_indirect_dma source(%arg19 : memref<80x128xbf16, #tpu.memory_space<vmem>>) target(%dma_start3A_195 : memref<10000x128xbf16, #tpu.memory_space<vmem_shared>>) offsets(%dma_start3A_192 : memref<80xi32, #tpu.memory_space<vmem>>) semaphore(%arg47 : memref<!tpu.dma_semaphore, #tpu.memory_space<semaphore_mem>>) {add = true}
    %dma_start3A_196 = arith.constant 9920 : i32
    %dma_start3A_197 = tpu.memref_slice %arg10[%dma_start3A_196] : memref<10000xi32, #tpu.memory_space<vmem>> -> memref<80xi32, #tpu.memory_space<vmem>>
    %dma_start3A_198 = arith.constant 0 : i32
    %dma_start3A_199 = tpu.memref_slice %arg26[%dma_start3A_198] : memref<10240xf32, #tpu.memory_space<vmem_shared>> -> memref<10240xf32, #tpu.memory_space<vmem_shared>>
    tpu.enqueue_indirect_dma source(%arg11 : memref<80xf32, #tpu.memory_space<vmem>>) target(%dma_start3A_199 : memref<10240xf32, #tpu.memory_space<vmem_shared>>) offsets(%dma_start3A_197 : memref<80xi32, #tpu.memory_space<vmem>>) semaphore(%arg53 : memref<!tpu.dma_semaphore, #tpu.memory_space<semaphore_mem>>) {add = true}
    %dma_wait3A_200 = arith.constant 0 : i32
    %dma_wait3A_201 = arith.constant 0 : i32
    %dma_wait3A_202 = tpu.memref_slice %arg2[%dma_wait3A_200, %dma_wait3A_201] : memref<10000x128xbf16, #tpu.memory_space<hbm>> -> memref<80x128xbf16, #tpu.memory_space<hbm>>
    %dma_wait3A_203 = arith.constant 0 : i32
    %dma_wait3A_204 = arith.constant 0 : i32
    %dma_wait3A_205 = tpu.memref_slice %arg2[%dma_wait3A_203, %dma_wait3A_204] : memref<10000x128xbf16, #tpu.memory_space<hbm>> -> memref<80x128xbf16, #tpu.memory_space<hbm>>
    tpu.wait_dma2 semaphore(%arg40 : memref<!tpu.dma_semaphore, #tpu.memory_space<semaphore_mem>>) src(%dma_wait3A_205 : memref<80x128xbf16, #tpu.memory_space<hbm>>) dst(%arg12 : memref<80x128xbf16, #tpu.memory_space<vmem>>)
    %dma_wait3A_206 = arith.constant 0 : i32
    %dma_wait3A_207 = arith.constant 0 : i32
    %dma_wait3A_208 = tpu.memref_slice %arg2[%dma_wait3A_206, %dma_wait3A_207] : memref<10000x128xbf16, #tpu.memory_space<hbm>> -> memref<80x128xbf16, #tpu.memory_space<hbm>>
    %dma_wait3A_209 = arith.constant 0 : i32
    %dma_wait3A_210 = arith.constant 0 : i32
    %dma_wait3A_211 = tpu.memref_slice %arg2[%dma_wait3A_209, %dma_wait3A_210] : memref<10000x128xbf16, #tpu.memory_space<hbm>> -> memref<80x128xbf16, #tpu.memory_space<hbm>>
    tpu.wait_dma2 semaphore(%arg41 : memref<!tpu.dma_semaphore, #tpu.memory_space<semaphore_mem>>) src(%dma_wait3A_211 : memref<80x128xbf16, #tpu.memory_space<hbm>>) dst(%arg12 : memref<80x128xbf16, #tpu.memory_space<vmem>>)
    %dma_wait3A_212 = arith.constant 0 : i32
    %dma_wait3A_213 = arith.constant 0 : i32
    %dma_wait3A_214 = tpu.memref_slice %arg2[%dma_wait3A_212, %dma_wait3A_213] : memref<10000x128xbf16, #tpu.memory_space<hbm>> -> memref<80x128xbf16, #tpu.memory_space<hbm>>
    %dma_wait3A_215 = arith.constant 0 : i32
    %dma_wait3A_216 = arith.constant 0 : i32
    %dma_wait3A_217 = tpu.memref_slice %arg2[%dma_wait3A_215, %dma_wait3A_216] : memref<10000x128xbf16, #tpu.memory_space<hbm>> -> memref<80x128xbf16, #tpu.memory_space<hbm>>
    tpu.wait_dma2 semaphore(%arg42 : memref<!tpu.dma_semaphore, #tpu.memory_space<semaphore_mem>>) src(%dma_wait3A_217 : memref<80x128xbf16, #tpu.memory_space<hbm>>) dst(%arg12 : memref<80x128xbf16, #tpu.memory_space<vmem>>)
    %dma_wait3A_218 = arith.constant 0 : i32
    %dma_wait3A_219 = arith.constant 0 : i32
    %dma_wait3A_220 = tpu.memref_slice %arg2[%dma_wait3A_218, %dma_wait3A_219] : memref<10000x128xbf16, #tpu.memory_space<hbm>> -> memref<80x128xbf16, #tpu.memory_space<hbm>>
    %dma_wait3A_221 = arith.constant 0 : i32
    %dma_wait3A_222 = arith.constant 0 : i32
    %dma_wait3A_223 = tpu.memref_slice %arg2[%dma_wait3A_221, %dma_wait3A_222] : memref<10000x128xbf16, #tpu.memory_space<hbm>> -> memref<80x128xbf16, #tpu.memory_space<hbm>>
    tpu.wait_dma2 semaphore(%arg43 : memref<!tpu.dma_semaphore, #tpu.memory_space<semaphore_mem>>) src(%dma_wait3A_223 : memref<80x128xbf16, #tpu.memory_space<hbm>>) dst(%arg12 : memref<80x128xbf16, #tpu.memory_space<vmem>>)
    %dma_wait3A_224 = arith.constant 0 : i32
    %dma_wait3A_225 = arith.constant 0 : i32
    %dma_wait3A_226 = tpu.memref_slice %arg2[%dma_wait3A_224, %dma_wait3A_225] : memref<10000x128xbf16, #tpu.memory_space<hbm>> -> memref<80x128xbf16, #tpu.memory_space<hbm>>
    %dma_wait3A_227 = arith.constant 0 : i32
    %dma_wait3A_228 = arith.constant 0 : i32
    %dma_wait3A_229 = tpu.memref_slice %arg2[%dma_wait3A_227, %dma_wait3A_228] : memref<10000x128xbf16, #tpu.memory_space<hbm>> -> memref<80x128xbf16, #tpu.memory_space<hbm>>
    tpu.wait_dma2 semaphore(%arg44 : memref<!tpu.dma_semaphore, #tpu.memory_space<semaphore_mem>>) src(%dma_wait3A_229 : memref<80x128xbf16, #tpu.memory_space<hbm>>) dst(%arg12 : memref<80x128xbf16, #tpu.memory_space<vmem>>)
    %dma_wait3A_230 = arith.constant 0 : i32
    %dma_wait3A_231 = arith.constant 0 : i32
    %dma_wait3A_232 = tpu.memref_slice %arg2[%dma_wait3A_230, %dma_wait3A_231] : memref<10000x128xbf16, #tpu.memory_space<hbm>> -> memref<80x128xbf16, #tpu.memory_space<hbm>>
    %dma_wait3A_233 = arith.constant 0 : i32
    %dma_wait3A_234 = arith.constant 0 : i32
    %dma_wait3A_235 = tpu.memref_slice %arg2[%dma_wait3A_233, %dma_wait3A_234] : memref<10000x128xbf16, #tpu.memory_space<hbm>> -> memref<80x128xbf16, #tpu.memory_space<hbm>>
    tpu.wait_dma2 semaphore(%arg45 : memref<!tpu.dma_semaphore, #tpu.memory_space<semaphore_mem>>) src(%dma_wait3A_235 : memref<80x128xbf16, #tpu.memory_space<hbm>>) dst(%arg12 : memref<80x128xbf16, #tpu.memory_space<vmem>>)
    %dma_wait3A_236 = arith.constant 0 : i32
    %dma_wait3A_237 = arith.constant 0 : i32
    %dma_wait3A_238 = tpu.memref_slice %arg2[%dma_wait3A_236, %dma_wait3A_237] : memref<10000x128xbf16, #tpu.memory_space<hbm>> -> memref<80x128xbf16, #tpu.memory_space<hbm>>
    %dma_wait3A_239 = arith.constant 0 : i32
    %dma_wait3A_240 = arith.constant 0 : i32
    %dma_wait3A_241 = tpu.memref_slice %arg2[%dma_wait3A_239, %dma_wait3A_240] : memref<10000x128xbf16, #tpu.memory_space<hbm>> -> memref<80x128xbf16, #tpu.memory_space<hbm>>
    tpu.wait_dma2 semaphore(%arg46 : memref<!tpu.dma_semaphore, #tpu.memory_space<semaphore_mem>>) src(%dma_wait3A_241 : memref<80x128xbf16, #tpu.memory_space<hbm>>) dst(%arg12 : memref<80x128xbf16, #tpu.memory_space<vmem>>)
    %dma_wait3A_242 = arith.constant 0 : i32
    %dma_wait3A_243 = arith.constant 0 : i32
    %dma_wait3A_244 = tpu.memref_slice %arg2[%dma_wait3A_242, %dma_wait3A_243] : memref<10000x128xbf16, #tpu.memory_space<hbm>> -> memref<80x128xbf16, #tpu.memory_space<hbm>>
    %dma_wait3A_245 = arith.constant 0 : i32
    %dma_wait3A_246 = arith.constant 0 : i32
    %dma_wait3A_247 = tpu.memref_slice %arg2[%dma_wait3A_245, %dma_wait3A_246] : memref<10000x128xbf16, #tpu.memory_space<hbm>> -> memref<80x128xbf16, #tpu.memory_space<hbm>>
    tpu.wait_dma2 semaphore(%arg47 : memref<!tpu.dma_semaphore, #tpu.memory_space<semaphore_mem>>) src(%dma_wait3A_247 : memref<80x128xbf16, #tpu.memory_space<hbm>>) dst(%arg12 : memref<80x128xbf16, #tpu.memory_space<vmem>>)
    %dma_wait3A_248 = arith.constant 0 : i32
    %dma_wait3A_249 = arith.constant 0 : i32
    %dma_wait3A_250 = tpu.memref_slice %arg2[%dma_wait3A_248, %dma_wait3A_249] : memref<10000x128xbf16, #tpu.memory_space<hbm>> -> memref<80x128xbf16, #tpu.memory_space<hbm>>
    %dma_wait3A_251 = arith.constant 0 : i32
    %dma_wait3A_252 = arith.constant 0 : i32
    %dma_wait3A_253 = tpu.memref_slice %arg2[%dma_wait3A_251, %dma_wait3A_252] : memref<10000x128xbf16, #tpu.memory_space<hbm>> -> memref<80x128xbf16, #tpu.memory_space<hbm>>
    tpu.wait_dma2 semaphore(%arg48 : memref<!tpu.dma_semaphore, #tpu.memory_space<semaphore_mem>>) src(%dma_wait3A_253 : memref<80x128xbf16, #tpu.memory_space<hbm>>) dst(%arg12 : memref<80x128xbf16, #tpu.memory_space<vmem>>)
    %dma_wait3A_254 = arith.constant 0 : i32
    %dma_wait3A_255 = arith.constant 0 : i32
    %dma_wait3A_256 = tpu.memref_slice %arg2[%dma_wait3A_254, %dma_wait3A_255] : memref<10000x128xbf16, #tpu.memory_space<hbm>> -> memref<80x128xbf16, #tpu.memory_space<hbm>>
    %dma_wait3A_257 = arith.constant 0 : i32
    %dma_wait3A_258 = arith.constant 0 : i32
    %dma_wait3A_259 = tpu.memref_slice %arg2[%dma_wait3A_257, %dma_wait3A_258] : memref<10000x128xbf16, #tpu.memory_space<hbm>> -> memref<80x128xbf16, #tpu.memory_space<hbm>>
    tpu.wait_dma2 semaphore(%arg49 : memref<!tpu.dma_semaphore, #tpu.memory_space<semaphore_mem>>) src(%dma_wait3A_259 : memref<80x128xbf16, #tpu.memory_space<hbm>>) dst(%arg12 : memref<80x128xbf16, #tpu.memory_space<vmem>>)
    %dma_wait3A_260 = arith.constant 0 : i32
    %dma_wait3A_261 = arith.constant 0 : i32
    %dma_wait3A_262 = tpu.memref_slice %arg2[%dma_wait3A_260, %dma_wait3A_261] : memref<10000x128xbf16, #tpu.memory_space<hbm>> -> memref<80x128xbf16, #tpu.memory_space<hbm>>
    %dma_wait3A_263 = arith.constant 0 : i32
    %dma_wait3A_264 = arith.constant 0 : i32
    %dma_wait3A_265 = tpu.memref_slice %arg2[%dma_wait3A_263, %dma_wait3A_264] : memref<10000x128xbf16, #tpu.memory_space<hbm>> -> memref<80x128xbf16, #tpu.memory_space<hbm>>
    tpu.wait_dma2 semaphore(%arg50 : memref<!tpu.dma_semaphore, #tpu.memory_space<semaphore_mem>>) src(%dma_wait3A_265 : memref<80x128xbf16, #tpu.memory_space<hbm>>) dst(%arg12 : memref<80x128xbf16, #tpu.memory_space<vmem>>)
    %dma_wait3A_266 = arith.constant 0 : i32
    %dma_wait3A_267 = arith.constant 0 : i32
    %dma_wait3A_268 = tpu.memref_slice %arg2[%dma_wait3A_266, %dma_wait3A_267] : memref<10000x128xbf16, #tpu.memory_space<hbm>> -> memref<80x128xbf16, #tpu.memory_space<hbm>>
    %dma_wait3A_269 = arith.constant 0 : i32
    %dma_wait3A_270 = arith.constant 0 : i32
    %dma_wait3A_271 = tpu.memref_slice %arg2[%dma_wait3A_269, %dma_wait3A_270] : memref<10000x128xbf16, #tpu.memory_space<hbm>> -> memref<80x128xbf16, #tpu.memory_space<hbm>>
    tpu.wait_dma2 semaphore(%arg51 : memref<!tpu.dma_semaphore, #tpu.memory_space<semaphore_mem>>) src(%dma_wait3A_271 : memref<80x128xbf16, #tpu.memory_space<hbm>>) dst(%arg12 : memref<80x128xbf16, #tpu.memory_space<vmem>>)
    %dma_wait3A_272 = arith.constant 0 : i32
    %dma_wait3A_273 = arith.constant 0 : i32
    %dma_wait3A_274 = tpu.memref_slice %arg2[%dma_wait3A_272, %dma_wait3A_273] : memref<10000x128xbf16, #tpu.memory_space<hbm>> -> memref<80x128xbf16, #tpu.memory_space<hbm>>
    %dma_wait3A_275 = arith.constant 0 : i32
    %dma_wait3A_276 = arith.constant 0 : i32
    %dma_wait3A_277 = tpu.memref_slice %arg2[%dma_wait3A_275, %dma_wait3A_276] : memref<10000x128xbf16, #tpu.memory_space<hbm>> -> memref<80x128xbf16, #tpu.memory_space<hbm>>
    tpu.wait_dma2 semaphore(%arg52 : memref<!tpu.dma_semaphore, #tpu.memory_space<semaphore_mem>>) src(%dma_wait3A_277 : memref<80x128xbf16, #tpu.memory_space<hbm>>) dst(%arg12 : memref<80x128xbf16, #tpu.memory_space<vmem>>)
    %dma_wait3A_278 = arith.constant 0 : i32
    %dma_wait3A_279 = tpu.memref_slice %arg5[%dma_wait3A_278] : memref<320000xi32, #tpu.memory_space<hbm>> -> memref<10000xi32, #tpu.memory_space<hbm>>
    %dma_wait3A_280 = arith.constant 0 : i32
    %dma_wait3A_281 = tpu.memref_slice %arg5[%dma_wait3A_280] : memref<320000xi32, #tpu.memory_space<hbm>> -> memref<10000xi32, #tpu.memory_space<hbm>>
    tpu.wait_dma2 semaphore(%arg53 : memref<!tpu.dma_semaphore, #tpu.memory_space<semaphore_mem>>) src(%dma_wait3A_281 : memref<10000xi32, #tpu.memory_space<hbm>>) dst(%arg9 : memref<10000xi32, #tpu.memory_space<vmem>>)
    %barrier3A_282 = arith.constant 0 : index
    tpu.barrier barrier_id(%barrier3A_282)
    %lt3A_283 = arith.constant 15 : i32
    %lt3A_284 = arith.cmpi slt, %arg1, %lt3A_283 : i32
    %convert_element_type3A_285 = arith.extui %lt3A_284 : i1 to i32
    %cond3A_286 = arith.constant 0 : i32
    %cond3A_287 = arith.cmpi ne, %convert_element_type3A_285, %cond3A_286 : i32
    scf.if %cond3A_287 {
      "tpu.region"() ({
        %run_scoped3A = tpu.sem_alloc : memref<!tpu.dma_semaphore, #tpu.memory_space<semaphore_mem>>
        %dma_start3A_297 = arith.constant 0 : i32
        %dma_start3A_298 = tpu.memref_slice %arg7[%arg0, %mul3A_4, %dma_start3A_297] : memref<2x10000x128xbf16, #tpu.memory_space<hbm>> -> memref<1x624x128xbf16, #tpu.memory_space<hbm>>
        %dma_start3A_299 = tpu.memref_squeeze %dma_start3A_298 : memref<1x624x128xbf16, #tpu.memory_space<hbm>> -> memref<624x128xbf16, #tpu.memory_space<hbm>>
        %dma_start3A_300 = arith.constant 0 : i32
        %dma_start3A_301 = tpu.memref_slice %arg25[%mul3A_4, %dma_start3A_300] : memref<10000x128xbf16, #tpu.memory_space<vmem_shared>> -> memref<624x128xbf16, #tpu.memory_space<vmem_shared>>
        tpu.enqueue_dma source(%dma_start3A_301 : memref<624x128xbf16, #tpu.memory_space<vmem_shared>>) target(%dma_start3A_299 : memref<624x128xbf16, #tpu.memory_space<hbm>>) target_semaphore(%run_scoped3A : memref<!tpu.dma_semaphore, #tpu.memory_space<semaphore_mem>>)
        %dma_wait3A_302 = arith.constant 0 : i32
        %dma_wait3A_303 = tpu.memref_slice %arg7[%arg0, %mul3A_4, %dma_wait3A_302] : memref<2x10000x128xbf16, #tpu.memory_space<hbm>> -> memref<1x624x128xbf16, #tpu.memory_space<hbm>>
        %dma_wait3A_304 = tpu.memref_squeeze %dma_wait3A_303 : memref<1x624x128xbf16, #tpu.memory_space<hbm>> -> memref<624x128xbf16, #tpu.memory_space<hbm>>
        %dma_wait3A_305 = arith.constant 0 : i32
        %dma_wait3A_306 = tpu.memref_slice %arg25[%mul3A_4, %dma_wait3A_305] : memref<10000x128xbf16, #tpu.memory_space<vmem_shared>> -> memref<624x128xbf16, #tpu.memory_space<vmem_shared>>
        tpu.wait_dma2 semaphore(%run_scoped3A : memref<!tpu.dma_semaphore, #tpu.memory_space<semaphore_mem>>) src(%dma_wait3A_306 : memref<624x128xbf16, #tpu.memory_space<vmem_shared>>) dst(%dma_wait3A_304 : memref<624x128xbf16, #tpu.memory_space<hbm>>)
        tpu.yield
      }) : () -> ()
    } else {
    }
    %eq3A_288 = arith.constant 15 : i32
    %eq3A_289 = arith.cmpi eq, %arg1, %eq3A_288 : i32
    %convert_element_type3A_290 = arith.extui %eq3A_289 : i1 to i32
    %cond3A_291 = arith.constant 0 : i32
    %cond3A_292 = arith.cmpi ne, %convert_element_type3A_290, %cond3A_291 : i32
    scf.if %cond3A_292 {
      "tpu.region"() ({
        %run_scoped3A = tpu.sem_alloc : memref<!tpu.dma_semaphore, #tpu.memory_space<semaphore_mem>>
        %dma_start3A_297 = arith.constant 0 : i32
        %dma_start3A_298 = tpu.memref_slice %arg7[%arg0, %mul3A_4, %dma_start3A_297] : memref<2x10000x128xbf16, #tpu.memory_space<hbm>> -> memref<1x640x128xbf16, #tpu.memory_space<hbm>>
        %dma_start3A_299 = tpu.memref_squeeze %dma_start3A_298 : memref<1x640x128xbf16, #tpu.memory_space<hbm>> -> memref<640x128xbf16, #tpu.memory_space<hbm>>
        %dma_start3A_300 = arith.constant 0 : i32
        %dma_start3A_301 = tpu.memref_slice %arg25[%mul3A_4, %dma_start3A_300] : memref<10000x128xbf16, #tpu.memory_space<vmem_shared>> -> memref<640x128xbf16, #tpu.memory_space<vmem_shared>>
        tpu.enqueue_dma source(%dma_start3A_301 : memref<640x128xbf16, #tpu.memory_space<vmem_shared>>) target(%dma_start3A_299 : memref<640x128xbf16, #tpu.memory_space<hbm>>) target_semaphore(%run_scoped3A : memref<!tpu.dma_semaphore, #tpu.memory_space<semaphore_mem>>)
        %dma_wait3A_302 = arith.constant 0 : i32
        %dma_wait3A_303 = tpu.memref_slice %arg7[%arg0, %mul3A_4, %dma_wait3A_302] : memref<2x10000x128xbf16, #tpu.memory_space<hbm>> -> memref<1x640x128xbf16, #tpu.memory_space<hbm>>
        %dma_wait3A_304 = tpu.memref_squeeze %dma_wait3A_303 : memref<1x640x128xbf16, #tpu.memory_space<hbm>> -> memref<640x128xbf16, #tpu.memory_space<hbm>>
        %dma_wait3A_305 = arith.constant 0 : i32
        %dma_wait3A_306 = tpu.memref_slice %arg25[%mul3A_4, %dma_wait3A_305] : memref<10000x128xbf16, #tpu.memory_space<vmem_shared>> -> memref<640x128xbf16, #tpu.memory_space<vmem_shared>>
        tpu.wait_dma2 semaphore(%run_scoped3A : memref<!tpu.dma_semaphore, #tpu.memory_space<semaphore_mem>>) src(%dma_wait3A_306 : memref<640x128xbf16, #tpu.memory_space<vmem_shared>>) dst(%dma_wait3A_304 : memref<640x128xbf16, #tpu.memory_space<hbm>>)
        tpu.yield
      }) : () -> ()
    } else {
    }
    %mul3A_293 = arith.constant 640 : i32
    %mul3A_294 = arith.muli %arg1, %mul3A_293 : i32
    %mul3A_295 = arith.constant 640 : i32
    %mul3A_296 = arith.muli %arg1, %mul3A_295 : i32
    "tpu.region"() ({
      %run_scoped3A = tpu.sem_alloc : memref<!tpu.dma_semaphore, #tpu.memory_space<semaphore_mem>>
      %dma_start3A_297 = tpu.memref_slice %arg8[%arg0, %mul3A_296] : memref<2x10240xf32, #tpu.memory_space<hbm>> -> memref<1x640xf32, #tpu.memory_space<hbm>>
      %dma_start3A_298 = tpu.memref_squeeze %dma_start3A_297 : memref<1x640xf32, #tpu.memory_space<hbm>> -> memref<640xf32, #tpu.memory_space<hbm>>
      %dma_start3A_299 = tpu.memref_slice %arg26[%mul3A_294] : memref<10240xf32, #tpu.memory_space<vmem_shared>> -> memref<640xf32, #tpu.memory_space<vmem_shared>>
      tpu.enqueue_dma source(%dma_start3A_299 : memref<640xf32, #tpu.memory_space<vmem_shared>>) target(%dma_start3A_298 : memref<640xf32, #tpu.memory_space<hbm>>) target_semaphore(%run_scoped3A : memref<!tpu.dma_semaphore, #tpu.memory_space<semaphore_mem>>)
      %dma_wait3A_300 = tpu.memref_slice %arg8[%arg0, %mul3A_296] : memref<2x10240xf32, #tpu.memory_space<hbm>> -> memref<1x640xf32, #tpu.memory_space<hbm>>
      %dma_wait3A_301 = tpu.memref_squeeze %dma_wait3A_300 : memref<1x640xf32, #tpu.memory_space<hbm>> -> memref<640xf32, #tpu.memory_space<hbm>>
      %dma_wait3A_302 = tpu.memref_slice %arg26[%mul3A_294] : memref<10240xf32, #tpu.memory_space<vmem_shared>> -> memref<640xf32, #tpu.memory_space<vmem_shared>>
      tpu.wait_dma2 semaphore(%run_scoped3A : memref<!tpu.dma_semaphore, #tpu.memory_space<semaphore_mem>>) src(%dma_wait3A_302 : memref<640xf32, #tpu.memory_space<vmem_shared>>) dst(%dma_wait3A_301 : memref<640xf32, #tpu.memory_space<hbm>>)
      tpu.yield
    }) : () -> ()
    return
  }
}

module attributes {stable_mosaic.version = 14 : i64} {
  func.func @_proj_body(%arg0: i32, %arg1: memref<1000x128xf32, #tpu.memory_space<vmem>>, %arg2: memref<128x128xf32, #tpu.memory_space<vmem>>, %arg3: memref<2x320000xi32, #tpu.memory_space<vmem>>, %arg4: memref<1000x128xbf16, #tpu.memory_space<vmem>>, %arg5: memref<320000xi32, #tpu.memory_space<vmem>>, %arg6: memref<320000xi32, #tpu.memory_space<vmem>>) attributes {dimension_semantics = [#tpu.dimension_semantics<arbitrary>], iteration_bounds = array<i64: 10>, scalar_prefetch = 0 : i64, scratch_operands = 0 : i64, tpu.core_type = #tpu.core_type<tc>, window_params = [{transform_indices = @transform_0, window_bounds = array<i64: 1000, 128>}, {pipeline_mode = #tpu.pipeline_mode<synchronous>, transform_indices = @transform_1, window_bounds = array<i64: 128, 128>}, {pipeline_mode = #tpu.pipeline_mode<synchronous>, transform_indices = @transform_2, window_bounds = array<i64: 2, 320000>}, {transform_indices = @transform_3, window_bounds = array<i64: 1000, 128>}, {pipeline_mode = #tpu.pipeline_mode<synchronous>, transform_indices = @transform_4, window_bounds = array<i64: 320000>}, {pipeline_mode = #tpu.pipeline_mode<synchronous>, transform_indices = @transform_5, window_bounds = array<i64: 320000>}]} {
    %get3A = arith.constant 0 : index
    %get3A_0 = arith.constant 0 : index
    %get3A_1 = vector.load %arg1[%get3A, %get3A_0] : memref<1000x128xf32, #tpu.memory_space<vmem>>, vector<1000x128xf32>
    %get3A_2 = arith.constant 0 : index
    %get3A_3 = arith.constant 0 : index
    %get3A_4 = vector.load %arg2[%get3A_2, %get3A_3] : memref<128x128xf32, #tpu.memory_space<vmem>>, vector<128x128xf32>
    %dot_general3A = arith.constant dense<0.000000e+00> : vector<1000x128xf32>
    %dot_general3A_5 = tpu.matmul %get3A_1, %get3A_4, %dot_general3A {dimension_numbers = #tpu.dot_dimension_numbers<[1], [0], [0], [1], [0, 0, 1, 1], [], []>, transpose_lhs_hint = false} : vector<1000x128xf32>, vector<128x128xf32>, vector<1000x128xf32> -> vector<1000x128xf32>
    %convert_element_type3A = arith.truncf %dot_general3A_5 : vector<1000x128xf32> to vector<1000x128xbf16>
    %swap3A = arith.constant 0 : index
    %swap3A_6 = arith.constant 0 : index
    %swap3A_7 = vector.load %arg4[%swap3A, %swap3A_6] : memref<1000x128xbf16, #tpu.memory_space<vmem>>, vector<1000x128xbf16>
    tpu.vector_store %arg4[%swap3A, %swap3A_6], %convert_element_type3A {strides = array<i32>} : memref<1000x128xbf16, #tpu.memory_space<vmem>>, vector<1000x128xbf16>,
    %mul3A = arith.constant 32000 : i32
    %mul3A_8 = arith.muli %arg0, %mul3A : i32
    %get3A_9 = arith.constant 0 : index
    %get3A_10 = arith.index_cast %mul3A_8 : i32 to index
    %get3A_11 = vector.load %arg3[%get3A_9, %get3A_10] : memref<2x320000xi32, #tpu.memory_space<vmem>>, vector<1x32000xi32>
    %get3A_12 = vector.shape_cast %get3A_11 : vector<1x32000xi32> to vector<32000xi32>
    %swap3A_13 = arith.index_cast %mul3A_8 : i32 to index
    %swap3A_14 = vector.load %arg5[%swap3A_13] : memref<320000xi32, #tpu.memory_space<vmem>>, vector<32000xi32>
    tpu.vector_store %arg5[%swap3A_13], %get3A_12 {strides = array<i32>} : memref<320000xi32, #tpu.memory_space<vmem>>, vector<32000xi32>,
    %get3A_15 = arith.constant 1 : index
    %get3A_16 = arith.index_cast %mul3A_8 : i32 to index
    %get3A_17 = vector.load %arg3[%get3A_15, %get3A_16] : memref<2x320000xi32, #tpu.memory_space<vmem>>, vector<1x32000xi32>
    %get3A_18 = vector.shape_cast %get3A_17 : vector<1x32000xi32> to vector<32000xi32>
    %swap3A_19 = arith.index_cast %mul3A_8 : i32 to index
    %swap3A_20 = vector.load %arg6[%swap3A_19] : memref<320000xi32, #tpu.memory_space<vmem>>, vector<32000xi32>
    tpu.vector_store %arg6[%swap3A_19], %get3A_18 {strides = array<i32>} : memref<320000xi32, #tpu.memory_space<vmem>>, vector<32000xi32>,
    return
  }
  func.func @transform_0(%arg0: i32) -> (i32, i32) {
    %c0_i32 = arith.constant 0 : i32
    %c0_i32_0 = arith.constant 0 : i32
    return %arg0, %c0_i32 : i32, i32
  }
  func.func @transform_1(%arg0: i32) -> (i32, i32) {
    %c0_i32 = arith.constant 0 : i32
    %c0_i32_0 = arith.constant 0 : i32
    %c0_i32_1 = arith.constant 0 : i32
    return %c0_i32, %c0_i32_0 : i32, i32
  }
  func.func @transform_2(%arg0: i32) -> (i32, i32) {
    %c0_i32 = arith.constant 0 : i32
    %c0_i32_0 = arith.constant 0 : i32
    %c0_i32_1 = arith.constant 0 : i32
    return %c0_i32, %c0_i32_0 : i32, i32
  }
  func.func @transform_3(%arg0: i32) -> (i32, i32) {
    %c0_i32 = arith.constant 0 : i32
    %c0_i32_0 = arith.constant 0 : i32
    return %arg0, %c0_i32 : i32, i32
  }
  func.func @transform_4(%arg0: i32) -> i32 {
    %c0_i32 = arith.constant 0 : i32
    %c0_i32_0 = arith.constant 0 : i32
    return %c0_i32 : i32
  }
  func.func @transform_5(%arg0: i32) -> i32 {
    %c0_i32 = arith.constant 0 : i32
    %c0_i32_0 = arith.constant 0 : i32
    return %c0_i32 : i32
  }
}

module attributes {stable_mosaic.version = 14 : i64} {
  func.func @_zproj_body(%arg0: i32, %arg1: memref<1000x128xf32, #tpu.memory_space<vmem>>, %arg2: memref<128x128xf32, #tpu.memory_space<vmem>>, %arg3: memref<1000x128xf32, #tpu.memory_space<vmem>>) attributes {dimension_semantics = [#tpu.dimension_semantics<arbitrary>], iteration_bounds = array<i64: 10>, scalar_prefetch = 0 : i64, scratch_operands = 0 : i64, tpu.core_type = #tpu.core_type<tc>, window_params = [{transform_indices = @transform_0, window_bounds = array<i64: 1000, 128>}, {pipeline_mode = #tpu.pipeline_mode<synchronous>, transform_indices = @transform_1, window_bounds = array<i64: 128, 128>}, {transform_indices = @transform_2, window_bounds = array<i64: 1000, 128>}]} {
    %get3A = arith.constant 0 : index
    %get3A_0 = arith.constant 0 : index
    %get3A_1 = vector.load %arg1[%get3A, %get3A_0] : memref<1000x128xf32, #tpu.memory_space<vmem>>, vector<1000x128xf32>
    %get3A_2 = arith.constant 0 : index
    %get3A_3 = arith.constant 0 : index
    %get3A_4 = vector.load %arg2[%get3A_2, %get3A_3] : memref<128x128xf32, #tpu.memory_space<vmem>>, vector<128x128xf32>
    %dot_general3A = arith.constant dense<0.000000e+00> : vector<1000x128xf32>
    %dot_general3A_5 = tpu.matmul %get3A_1, %get3A_4, %dot_general3A {dimension_numbers = #tpu.dot_dimension_numbers<[1], [0], [0], [1], [0, 0, 1, 1], [], []>, transpose_lhs_hint = false} : vector<1000x128xf32>, vector<128x128xf32>, vector<1000x128xf32> -> vector<1000x128xf32>
    %swap3A = arith.constant 0 : index
    %swap3A_6 = arith.constant 0 : index
    %swap3A_7 = vector.load %arg3[%swap3A, %swap3A_6] : memref<1000x128xf32, #tpu.memory_space<vmem>>, vector<1000x128xf32>
    tpu.vector_store %arg3[%swap3A, %swap3A_6], %dot_general3A_5 {strides = array<i32>} : memref<1000x128xf32, #tpu.memory_space<vmem>>, vector<1000x128xf32>,
    return
  }
  func.func @transform_0(%arg0: i32) -> (i32, i32) {
    %c0_i32 = arith.constant 0 : i32
    %c0_i32_0 = arith.constant 0 : i32
    return %arg0, %c0_i32 : i32, i32
  }
  func.func @transform_1(%arg0: i32) -> (i32, i32) {
    %c0_i32 = arith.constant 0 : i32
    %c0_i32_0 = arith.constant 0 : i32
    %c0_i32_1 = arith.constant 0 : i32
    return %c0_i32, %c0_i32_0 : i32, i32
  }
  func.func @transform_2(%arg0: i32) -> (i32, i32) {
    %c0_i32 = arith.constant 0 : i32
    %c0_i32_0 = arith.constant 0 : i32
    return %arg0, %c0_i32 : i32, i32
  }
}

module attributes {stable_mosaic.version = 14 : i64} {
  func.func @_final_body(%arg0: memref<2x10000x128xbf16, #tpu.memory_space<vmem>>, %arg1: memref<2x10240xf32, #tpu.memory_space<vmem>>, %arg2: memref<10000x128xf32, #tpu.memory_space<vmem>>, %arg3: memref<10000x128xf32, #tpu.memory_space<vmem>>) attributes {dimension_semantics = [], scalar_prefetch = 0 : i64, scratch_operands = 0 : i64, tpu.core_type = #tpu.core_type<tc>} {
    %get3A = arith.constant 0 : index
    %get3A_0 = arith.constant 0 : index
    %get3A_1 = arith.constant 0 : index
    %get3A_2 = vector.load %arg0[%get3A, %get3A_0, %get3A_1] : memref<2x10000x128xbf16, #tpu.memory_space<vmem>>, vector<1x10000x128xbf16>
    %get3A_3 = vector.shape_cast %get3A_2 : vector<1x10000x128xbf16> to vector<10000x128xbf16>
    %convert_element_type3A = arith.extf %get3A_3 : vector<10000x128xbf16> to vector<10000x128xf32>
    %get3A_4 = arith.constant 1 : index
    %get3A_5 = arith.constant 0 : index
    %get3A_6 = arith.constant 0 : index
    %get3A_7 = vector.load %arg0[%get3A_4, %get3A_5, %get3A_6] : memref<2x10000x128xbf16, #tpu.memory_space<vmem>>, vector<1x10000x128xbf16>
    %get3A_8 = vector.shape_cast %get3A_7 : vector<1x10000x128xbf16> to vector<10000x128xbf16>
    %convert_element_type3A_9 = arith.extf %get3A_8 : vector<10000x128xbf16> to vector<10000x128xf32>
    %add3A = arith.addf %convert_element_type3A, %convert_element_type3A_9 : vector<10000x128xf32>
    %get3A_10 = arith.constant 0 : index
    %get3A_11 = arith.constant 0 : index
    %get3A_12 = vector.load %arg1[%get3A_10, %get3A_11] : memref<2x10240xf32, #tpu.memory_space<vmem>>, vector<1x10000xf32>
    %get3A_13 = vector.shape_cast %get3A_12 : vector<1x10000xf32> to vector<10000xf32>
    %get3A_14 = arith.constant 1 : index
    %get3A_15 = arith.constant 0 : index
    %get3A_16 = vector.load %arg1[%get3A_14, %get3A_15] : memref<2x10240xf32, #tpu.memory_space<vmem>>, vector<1x10000xf32>
    %get3A_17 = vector.shape_cast %get3A_16 : vector<1x10000xf32> to vector<10000xf32>
    %add3A_18 = arith.addf %get3A_13, %get3A_17 : vector<10000xf32>
    %max3A = arith.constant 1.000000e+00 : f32
    %max3A_19 = vector.broadcast %max3A : f32 to vector<10000xf32>
    %max3A_20 = arith.maximumf %add3A_18, %max3A_19 : vector<10000xf32>
    %broadcast_in_dim3A = vector.shape_cast %max3A_20 : vector<10000xf32> to vector<10000x1xf32>
    %div3A = vector.broadcast %broadcast_in_dim3A : vector<10000x1xf32> to vector<10000x128xf32>
    %div3A_21 = arith.divf %add3A, %div3A : vector<10000x128xf32>
    %get3A_22 = arith.constant 0 : index
    %get3A_23 = arith.constant 0 : index
    %get3A_24 = vector.load %arg2[%get3A_22, %get3A_23] : memref<10000x128xf32, #tpu.memory_space<vmem>>, vector<10000x128xf32>
    %add3A_25 = arith.addf %div3A_21, %get3A_24 : vector<10000x128xf32>
    %swap3A = arith.constant 0 : index
    %swap3A_26 = arith.constant 0 : index
    %swap3A_27 = vector.load %arg3[%swap3A, %swap3A_26] : memref<10000x128xf32, #tpu.memory_space<vmem>>, vector<10000x128xf32>
    tpu.vector_store %arg3[%swap3A, %swap3A_26], %add3A_25 {strides = array<i32>} : memref<10000x128xf32, #tpu.memory_space<vmem>>, vector<10000x128xf32>,
    return
  }
}

</mosaic_0001>

<sc_bundles>
// kernel: kernel.6.cloned.1.call-start
scs
__scs_entry_jumppad:
0x0: {  	(pc) =	sbr.rel $0x88, $3  }
0x1: {  	(tag) =	ssettag $0x0;
	lr =	simm.s32 $0x1  }
0x2: {  	[smem:$0x3F9D] =	sst lr;
	_ =	strace $0xD0000000  }
0x3: {  	_ = 	snop  }
0x4: {  	_ = 	snop  }
0x5: {  	_ = 	snop  }
0x6: {  	_ = 	snop  }
0x7: {  	_ = 	snop  }
__scs_overlays_trampoline_lowered:
0x8: {  	[smem:$0x3FAC] =	sst s0  }
0x9: {  	[smem:$0x3FAD] =	sst s1  }
0xa: {  	[smem:$0x3FAE] =	sst s2  }
0xb: {  	[smem:$0x3FAF] =	sst s3  }
0xc: {  	[smem:$0x3FB0] =	sst s4  }
0xd: {  	[smem:$0x3FB1] =	sst s5  }
0xe: {  	[smem:$0x3FB2] =	sst s6  }
0xf: {  	[smem:$0x3FB3] =	sst s7  }
0x10: {  	[smem:$0x3FB4] =	sst s8  }
0x11: {  	[smem:$0x3FB5] =	sst s9;
	s0 =	simm.s32 @!p0 $0x0  }
0x12: {  	s1 =	sld [smem:$0x3F9B];
	s0 =	simm.s32 @p0 $0x1  }
0x13: {  	[smem:$0x3FB6] =	sst s0;
	s0 =	simm.s32 @!p1 $0x0  }
0x14: {  	s2 =	sld [smem:$0x3F9A];
	s0 =	simm.s32 @p1 $0x1  }
0x15: {  	[smem:$0x3FB7] =	sst s0;
	s0 =	simm.s32 @!p2 $0x0  }
0x16: {  	s3 =	sld [smem:$0x3FDB];
	s0 =	simm.s32 @p2 $0x1  }
0x17: {  	s4 =	simm.s32 $0x1BF5;
	[smem:$0x3FB9] =	sst s0  }
0x18: {  	s0 =	sld [smem:$0x3F9C];
	_ =	swait.ge [sflag:s4], $0x0  }
0x19: {  	s7 =	sld [smem:$0x3F9D]  }
0x1a: {  	s8 =	sadd.s32 $0xFFFFE003, lr  }
0x1b: {  	s9 =	sadd.s32 $0xFFFFFEF7, lr;
	s5 =	simm.s32 $0xFFFFFFFF;
	p2 =	slt.u32 s8, $0xFFFFF086  }
0x1c: {  	p1 =	slt.u32 s9, $0xF7A;
	s5 =	simm.s32 @!p2 $0x0  }
0x1d: {  	s5 =	simm.s32 @p1 $0x1;
	p0 =	seq.s32 s7, s2  }
0x1e: {  	s7 =	smul.u32 @!p0 $0xF7A, s2;
	p2 =	seq.s32 @!p0 s5, $0x0  }
0x1f: {  	s9 =	smul.u32 $0xF7A, s1;
	s8 =	simm.s32 @!p0 $0x1BF5;
	p2 =	por !p2, p0  }
0x20: {  	[sflag:s8] =	ssyncset.s32 @!p0 $0xFFFFF086;
	s6 =	sadd.s32 @!p0 s3, s7;
	s7 =	simm.s32 @!p0 $0x108  }
0x21: {  	s3 =	sadd.s32 s3, s9;
	s6 =	sadd.s32 @!p0 $0x88, s6;
	s7 =	simm.s32 @p2 $0x1082  }
0x22: {  	[simem:s7], [sflag:s8] =	dma.local @!p0 [hbm:s6], $0xF7A  }
0x23: {  	s9 =	sor.u32 $0xD0000000, s2;
	s6 =	simm.s32 $0x108;
	_ =	swait.ge @!p0 [sflag:s8], $0x0  }
0x24: {  	s3 =	sadd.s32 $0x88, s3;
	s6 =	simm.s32 @!p1 $0x1082;
	[sflag:s4] =	ssyncset.s32 $0xFFFFF086  }
0x25: {  	[simem:s6], [sflag:s4] =	dma.local [hbm:s3], $0xF7A  }
0x26: {  	[smem:$0x3F9D] =	sst s1;
	(tag) =	ssettag s2;
	_ =	strace s9  }
0x27: {  	s1 =	sld [smem:$0x3FAD]  }
0x28: {  	s2 =	sld [smem:$0x3FAE]  }
0x29: {  	s4 =	sld [smem:$0x3FB0]  }
0x2a: {  	p0 =	seq.s32 s5, $0x0;
	s5 =	sld [smem:$0x3FB1]  }
0x2b: {  	s6 =	sld [smem:$0x3FB2]  }
0x2c: {  	s7 =	sld [smem:$0x3FB3]  }
0x2d: {  	s3 =	simm.s32 $0x108;
	s8 =	sld [smem:$0x3FB4]  }
0x2e: {  	s3 =	simm.s32 @!p0 $0x1082;
	s9 =	sld [smem:$0x3FB5]  }
0x2f: {  	lr =	sadd.s32 s0, s3;
	s0 =	sld [smem:$0x3FAC]  }
0x30: {  	s3 =	sld [smem:$0x3FAF]  }
0x31: {  	[smem:$0x3FB8] =	sst s10  }
0x32: {  	s10 =	sld [smem:$0x3FB6];
	_ =	sdelay $0x3  }
0x33: {  	p0 =	seq.s32 s10, $0x1;
	s10 =	sld [smem:$0x3FB8];
	_ =	sdelay $0x3  }
0x34: {  	[smem:$0x3FB8] =	sst s10  }
0x35: {  	s10 =	sld [smem:$0x3FB7];
	_ =	sdelay $0x3  }
0x36: {  	p1 =	seq.s32 s10, $0x1;
	s10 =	sld [smem:$0x3FB8];
	_ =	sdelay $0x3  }
0x37: {  	[smem:$0x3FB8] =	sst s10  }
0x38: {  	s10 =	sld [smem:$0x3FB9]  }
0x39: {  	_ = 	snop;
	(pc) =	sbr.ind lr, $3  }
0x3a: {  	_ = 	snop  }
0x3b: {  	_ = 	snop  }
0x3c: {  	p2 =	seq.s32 s10, $0x1;
	s10 =	sld [smem:$0x3FB8]  }
0x3d: {  	_ =	shalt  }
0x3e: {  	_ =	shalt  }
0x3f: {  	_ =	shalt  }
0x40: {  	_ =	shalt  }
0x41: {  	_ =	shalt  }
0x42: {  	_ =	shalt  }
0x43: {  	_ =	shalt  }
0x44: {  	_ =	shalt  }
0x45: {  	_ =	shalt  }
0x46: {  	_ =	shalt  }
0x47: {  	_ =	shalt  }
0x48: {  	_ =	shalt  }
0x49: {  	_ =	shalt  }
0x4a: {  	_ =	shalt  }
0x4b: {  	_ =	shalt  }
0x4c: {  	_ =	shalt  }
0x4d: {  	_ =	shalt  }
0x4e: {  	_ =	shalt  }
0x4f: {  	_ =	shalt  }
0x50: {  	_ =	shalt  }
0x51: {  	_ =	shalt  }
0x52: {  	_ =	shalt  }
0x53: {  	_ =	shalt  }
0x54: {  	_ =	shalt  }
0x55: {  	_ =	shalt  }
0x56: {  	_ =	shalt  }
0x57: {  	_ =	shalt  }
0x58: {  	_ =	shalt  }
0x59: {  	_ =	shalt  }
0x5a: {  	_ =	shalt  }
0x5b: {  	_ =	shalt  }
0x5c: {  	_ =	shalt  }
0x5d: {  	_ =	shalt  }
0x5e: {  	_ =	shalt  }
0x5f: {  	_ =	shalt  }
0x60: {  	_ =	shalt  }
0x61: {  	_ =	shalt  }
0x62: {  	_ =	shalt  }
0x63: {  	_ =	shalt  }
0x64: {  	_ =	shalt  }
0x65: {  	_ =	shalt  }
0x66: {  	_ =	shalt  }
0x67: {  	_ =	shalt  }
0x68: {  	_ =	shalt  }
0x69: {  	_ =	shalt  }
0x6a: {  	_ =	shalt  }
0x6b: {  	_ =	shalt  }
0x6c: {  	_ =	shalt  }
0x6d: {  	_ =	shalt  }
0x6e: {  	_ =	shalt  }
0x6f: {  	_ =	shalt  }
0x70: {  	_ =	shalt  }
0x71: {  	_ =	shalt  }
0x72: {  	_ =	shalt  }
0x73: {  	_ =	shalt  }
0x74: {  	_ =	shalt  }
0x75: {  	_ =	shalt  }
0x76: {  	_ =	shalt  }
0x77: {  	_ =	shalt  }
0x78: {  	_ =	shalt  }
0x79: {  	_ =	shalt  }
0x7a: {  	_ =	shalt  }
0x7b: {  	_ =	shalt  }
0x7c: {  	_ =	shalt  }
0x7d: {  	_ =	shalt  }
0x7e: {  	_ =	shalt  }
0x7f: {  	_ =	shalt  }
0x80: {  	_ =	shalt  }
0x81: {  	_ =	shalt  }
0x82: {  	_ =	shalt  }
0x83: {  	_ =	shalt  }
0x84: {  	_ =	shalt  }
0x85: {  	_ =	shalt  }
0x86: {  	_ =	shalt  }
0x87: {  	_ =	shalt  }
.Lfunc_end0:
.L_simem_size_0:
called_computation_lowered:
.L_overlay_start_0:
0x88: {  	s2 =	sld [smem:$0x3FD9]  }
0x89: {  	s3 =	sld [smem:$0x3FFE];
	_ =	sdelay $0x1  }
0x8a: {  	s1 =	srdreg.scid  }
0x8b: {  	s0 =	sand.u32 $0x1, s1  }
0x8c: {  	s17 =	sshll.u32 s0, $0xA;
	s2 =	sadd.s32 s3, s2  }
0x8d: {  	s2 =	sadd.s32 s2, s17  }
0x8e: {  	[smem:$0x3FC4] =	sst s2  }
0x8f: {  	_ = 	snop  }
0x90: {  	s2 =	sld [smem:$0x3FD0];
	(tm) =	ssettm $0x1  }
0x91: {  	s18 =	sld [smem:$0x3FFB];
	_ =	sdelay $0x3  }
0x92: {  	_ =	strace s18  }
0x93: {  	s3 =	sld [smem:$0x3FFC];
	_ =	sdelay $0x3  }
0x94: {  	_ =	strace s3  }
0x95: {  	s3 =	sld [smem:$0x3FFD];
	_ =	sdelay $0x3  }
0x96: {  	_ =	strace s3  }
0x97: {  	_ =	strace $0x8FFFFFFF  }
0x98: {  	s19 =	sld [smem:$0x3FDB];
	_ =	sdelay $0x1  }
0x99: {  	s4 =	simm.s32 $_scs_section_size  }
0x9a: {  	s5 =	simm.s32 $_size__tile_overlayer_lowered;
	s6 =	simm.s32 $_tile_overlayer_lowered  }
0x9b: {  	s22 =	simm.s32 $0x1BFF;
	s21 =	sshll.u32 s6, $0x1;
	s3 =	sadd.s32 s4, s19  }
0x9c: {  	s7 =	simm.s32 $0x0;
	s20 =	sshll.u32 s5, $0x1;
	s5 =	sadd.s32 s21, s3  }
0x9d: {  	[timem:s7], [sflag:s22] =	dma.local [hbm:s5], s20  }
0x9e: {  	_ =	swait.ge [sflag:s22], s20  }
0x9f: {  	s4 =	ssub.s32 $0x0, s20;
	[sflag:s22] =	ssyncset.done $0x0  }
0xa0: {  	[sflag:s22] =	ssyncadd.s32 s4;
	_ =	sdelay $0x1  }
0xa1: {  	s23 =	simm.s32 $0x1B8B  }
0xa2: {  	_ =	swait.ge [sflag:s23], $0x1  }
0xa3: {  	[sflag:s23] =	ssyncset.done $0x0  }
0xa4: {  	s25 =	simm.s32 $0x1B8E;
	s24 =	sld [smem:$0x3FFE];
	[sflag:s23] =	ssyncadd.s32 $0xFFFFFFFF  }
0xa5: {  	s26 =	simm.s32 $execute0_lowered;
	[smem:$0x3FD2] =	sst s25  }
0xa6: {  	s5 =	sshll.u32 s26, $0x1;
	_ =	strace $0x80000046;
	[dreg:$0x1] =	wrdreg $0xFFFFFFFF  }
0xa7: {  	s28 =	simm.s32 $_size_execute0_lowered;
	s3 =	sadd.s32 s3, s5;
	[dreg:$0x0] =	wrdreg $0x0  }
0xa8: {  	s5 =	sshll.u32 s28, $0x1;
	[dreg:$0x2] =	wrdreg s3  }
0xa9: {  	[dreg:$0x3] =	wrdreg s5  }
0xaa: {  	[dreg:$0x4] =	wrdreg $0xC0  }
0xab: {  	_ =	task [dreg:s7], $0x5FFFF  }
0xac: {  	[dreg:$0x1] =	wrdreg $0xFFFFFFFF  }
0xad: {  	[dreg:$0x0] =	wrdreg $0x60  }
0xae: {  	[dreg:$0x2] =	wrdreg s24  }
0xaf: {  	[dreg:$0x3] =	wrdreg s2  }
0xb0: {  	[dreg:$0x4] =	wrdreg $0x152700  }
0xb1: {  	[dreg:$0x5] =	wrdreg $0x1EEB00  }
0xb2: {  	[dreg:$0x6] =	wrdreg $0x9  }
0xb3: {  	_ =	task.clear_ibuf [dreg:s7], $0x7FFFF;
	_ =	strace $0x90000046  }
0xb4: {  	s29 =	simm.s32 $0x9;
	_ =	strace $0x80000048  }
0xb5: {  	_ =	swait.ge [sflag:s29], $0x1  }
0xb6: {  	[sflag:s29] =	ssyncadd.s32 $0xFFFFFFFF  }
0xb7: {  	_ =	strace $0x90000048  }
0xb8: {  	_ =	sfence  }
0xb9: {  	s30 =	sld [smem:$0x0];
	_ =	sdelay $0x2  }
0xba: {  	s31 =	sshll.u32 s1, $0xD;
	s1 =	sshrl.u32 s1, $0x2  }
0xbb: {  	s3 =	sand.u32 $0x4000, s31;
	s1 =	sadd.s32 s1, s30  }
0xbc: {  	s0 =	sor.u32 s3, s0;
	s1 =	sshll.u32 s1, $0x11  }
0xbd: {  	s0 =	sor.u32 s1, s0  }
0xbe: {  	s0 =	sadd.s32 $0x8F2B, s0  }
0xbf: {  	[sflag:s0] =	ssyncadd.remote.s32 $0x1  }
0xc0: {  	_ =	sfence.sel $0xFFFF  }
0xc1: {  	[dreg:$0x0] =	wrdreg $0xFFFFFFFF;
	(pc) =	sbr.abs _section_cstart, $3  }
0xc2: {  	[dreg:$0x1] =	wrdreg $0xFFFFFFFF  }
0xc3: {  	_ =	task.clear_ibuf [dreg:s7], $0x2FFFF;
	_ =	strace $0x9FFFFFFF  }
0xc4: {  	(tm) =	ssettm $0x7FFFFFFF  }
0xc5: {  	_ =	shalt  }
tec
execute0_lowered:
.L_overlay_start_1:
0x0: {  	(tag) =	ssettag $0x1  }
0x1: {  	s0 =	rddreg [dreg:$0x0]  }
0x2: {  	s1 =	srdreg.scid;
	s4 =	rddreg [dreg:$0x1]  }
0x3: {  	s12 =	stileid.u32;
	s2 =	rddreg [dreg:$0x2]  }
0x4: {  	s19 =	simm.s32 $0x0;
	s30 =	simm.s32 $0x12A70;
	s14 =	simm.s32 $0x11670  }
0x5: {  	s18 =	simm.s32 $0x13E70;
	s17 =	simm.s32 $0xA;
	s31 =	simm.s32 $0xB  }
0x6: {  	s29 =	simm.s32 $0xD;
	s1 =	sand.u32 $0x1, s1;
	s7 =	smul.u32 $0x280, s12  }
0x7: {  	s3 =	sshll.u32 s12, $0x1;
	[smem:$0x7FF] =	sst s19;
	s10 =	smul.u32 $0x27000, s12  }
0x8: {  	s9 =	sadd.s32 $0x29400, s0;
	s20 =	sadd.s32 $0x2A800, s0;
	s24 =	smul.u32 $0x13800, s12  }
0x9: {  	s11 =	sadd.s32 $0x92400, s2;
	p0 =	seq.s32 s12, $0xF;
	s28 =	sshll.u32 s12, $0x6  }
0xa: {  	s19 =	simm.s32 $0x12;
	s5 =	sor.u32 s1, s3;
	s3 =	rddreg [dreg:$0x3]  }
0xb: {  	s8 =	smul.u32 $0x2800, s1;
	_ =	strace $0x80000047;
	[dreg:$0x6] =	wrdreg s9  }
0xc: {  	[dreg:$0x7] =	wrdreg s20;
	s21 =	ssub.s32 $0x2, s1;
	s1 =	smul.u32 $0x138800, s1  }
0xd: {  	[dreg:$0x5] =	wrdreg s30;
	s20 =	simm.s32 $0x4E20;
	s6 =	smul.u32 $0x4E2, s5  }
0xe: {  	s5 =	sadd.s32 $0x15A00, s0;
	s22 =	sshrl.u32 s21, $0x1;
	s23 =	sshrl.u32 s10, $0x2  }
0xf: {  	s10 =	sshrl.u32 s24, $0x1;
	s8 =	sadd.s32 s7, s8;
	s9 =	sadd.s32 s23, s2  }
0x10: {  	s7 =	sadd.s32 s7, s3;
	s25 =	sadd.s32 s24, s1;
	s1 =	sshrl.u32 s1, $0x4  }
0x11: {  	s24 =	simm.s32 $0x1C;
	s23 =	simm.s32 $0xC;
	s6 =	sadd.s32 s6, s0  }
0x12: {  	s8 =	sshrl.u32 s8, $0x3;
	s1 =	sadd.s32 s4, s1;
	s13 =	sadd.s32 $0x1E00, s6  }
0x13: {  	s0 =	sadd.s32 s8, s0;
	s6 =	sadd.s32 $0xBC00, s6;
	[dreg:$0x8] =	wrdreg s13  }
0x14: {  	s8 =	ssub.s32 s21, s22;
	s1 =	sadd.s32 $0x12480, s1;
	[dreg:$0x9] =	wrdreg s6  }
0x15: {  	s21 =	simm.s32 $0x50;
	[dreg:$0xb] =	wrdreg s1;
	s0 =	sadd.s32 $0x2AA00, s0  }
0x16: {  	s6 =	sshrl.u32 s25, $0x4;
	s26 =	smax.u32 s8, $0x1;
	[dreg:$0xc] =	wrdreg s0  }
0x17: {  	s22 =	simm.s32 $0x13;
	s6 =	sadd.s32 s4, s6;
	[dreg:$0xd] =	wrdreg s26  }
0x18: {  	s0 =	sshll.u32 @!p0 s12, $0x6;
	s12 =	sshrl.u32 s7, $0x3;
	[dreg:$0xa] =	wrdreg s6  }
0x19: {  	s25 =	simm.s32 $0x9;
	s0 =	sor.u32 @!p0 $0x1C1C, s0;
	[dreg:$0x12] =	wrdreg s12  }
0x1a: {  	s6 =	sadd.s32 s10, s2;
	s10 =	sshrl.u32 @p0 s11, $0x3;
	[dreg:$0xf] =	wrdreg s0  }
0x1b: {  	s4 =	simm.s32 $0xEE70;
	s0 =	sshrl.u32 @!p0 s9, $0x3;
	[dreg:$0xe] =	wrdreg s10  }
0x1c: {  	s26 =	simm.s32 $0x14;
	s9 =	sor.u32 $0x1C1C, s28;
	[dreg:$0x10] =	wrdreg s0  }
0x1d: {  	s7 =	simm.s32 $0x0;
	s0 =	sshrl.u32 @!p0 s6, $0x3;
	[dreg:$0x11] =	wrdreg s9  }
0x1e: {  	v0 =	vimm.f32 $1.000000000e+00;
	s6 =	simm.s32 $0x10270;
	[dreg:$0x13] =	wrdreg s0;
	s0 =	simm.s32 $0x15  }
.LBB2_1:
0x1f: {  	[dreg:$0x14] =	wrdreg s7  }
0x20: {  	s8 =	simm.s32 @p0 $0x1FDC;
	s1 =	rddreg [dreg:$0x6]  }
0x21: {  	[spmem:s10], [sflag:s8] =	dma.local @p0 [hbm:s1], $0x1400  }
0x22: {  	s8 =	simm.s32 @p0 $0x1C  }
0x23: {  	_ =	swait.ge @p0 [sflag:s8], $0x1400  }
0x24: {  	[sflag:s8] =	ssyncset.done @p0 $0x0;
	s7 =	rddreg [dreg:$0xf]  }
0x25: {  	[sflag:s8] =	ssyncadd.s32 @p0 $0xFFFFEC00;
	s8 =	rddreg [dreg:$0x10]  }
0x26: {  	[spmem:s8], [sflag:s7] =	dma.local @!p0 [hbm:s1], $0x1380  }
0x27: {  	s8 =	simm.s32 @!p0 $0x1C  }
0x28: {  	_ =	swait.ge @!p0 [sflag:s8], $0x1380  }
0x29: {  	[sflag:s8] =	ssyncset.done @!p0 $0x0  }
0x2a: {  	[sflag:s8] =	ssyncadd.s32 @!p0 $0xFFFFEC80;
	s8 =	rddreg [dreg:$0x7]  }
0x2b: {  	[spmem:s12], [sflag:s9] =	dma.local [hbm:s8], $0x50  }
0x2c: {  	_ =	swait.ge [sflag:s24], $0x50  }
0x2d: {  	[sflag:s24] =	ssyncset.done $0x0  }
0x2e: {  	[sflag:s24] =	ssyncadd.s32 $0xFFFFFFB0  }
0x2f: {  	[tilespmem:$0x4E20] =	vst v0  }
0x30: {  	[tilespmem:$0x4E30] =	vst v0  }
0x31: {  	[tilespmem:$0x4E40] =	vst v0  }
0x32: {  	[tilespmem:$0x4E50] =	vst v0  }
0x33: {  	s10 =	simm.s32 $0x0;
	s11 =	rddreg [dreg:$0x8];
	[tilespmem:$0x4E60] =	vst v0  }
0x34: {  	[tilespmem:s10], [sflag:$0x1C] =	stream.linear.gather [hbm4b:s11+s10], $0x2710, $0x38;
	[tilespmem:$0x1F130] =	vst v63  }
0x35: {  	_ =	swait.ge [sflag:s24], $0x2710  }
0x36: {  	[sflag:s24] =	ssyncset.done $0x0  }
0x37: {  	s13 =	simm.s32 $0x2710;
	s12 =	rddreg [dreg:$0x9];
	[sflag:s24] =	ssyncadd.s32 $0xFFFFD8F0  }
0x38: {  	[tilespmem:s13], [sflag:$0x1C] =	stream.linear.gather [hbm4b:s12+s10], $0x2710, $0x38;
	[tilespmem:$0x1F130] =	vst v63  }
0x39: {  	_ =	swait.ge [sflag:s24], $0x2710  }
0x3a: {  	[sflag:s24] =	ssyncset.done $0x0  }
0x3b: {  	[sflag:s24] =	ssyncadd.s32 $0xFFFFD8F0  }
0x3c: {  	s7 =	simm.s32 $0x4E70;
	[bflag:$0x0] =	sbarrier.arrive $0xFFFF  }
0x3d: {  	[tilespmem:s7], [sflag:$0x1] =	stream.indirect.gather [hbm4b:s5+s21], $0x40, s10, s21, $0xb8;
	[tilespmem:$0x1F130] =	vst v63  }
0x3e: {  	s1 =	simm.s32 $0x6270  }
0x3f: {  	[tilespmem:s1], [sflag:$0x2] =	stream.indirect.gather [hbm4b:s5+s21], $0x40, s21, s21, $0xb8;
	[tilespmem:$0x1F130] =	vst v63  }
0x40: {  	s15 =	simm.s32 $0xA0;
	s9 =	simm.s32 $0x7670  }
0x41: {  	[tilespmem:s9], [sflag:$0x3] =	stream.indirect.gather [hbm4b:s5+s21], $0x40, s15, s21, $0xb8;
	[tilespmem:$0x1F130] =	vst v63  }
0x42: {  	s16 =	simm.s32 $0xF0;
	s11 =	simm.s32 $0x8A70  }
0x43: {  	[tilespmem:s11], [sflag:$0x4] =	stream.indirect.gather [hbm4b:s5+s21], $0x40, s16, s21, $0xb8;
	[tilespmem:$0x1F130] =	vst v63  }
0x44: {  	s13 =	simm.s32 $0x9E70;
	s24 =	simm.s32 $0x140  }
0x45: {  	[tilespmem:s13], [sflag:$0x5] =	stream.indirect.gather [hbm4b:s5+s21], $0x40, s24, s21, $0xb8;
	[tilespmem:$0x1F130] =	vst v63  }
0x46: {  	s28 =	simm.s32 $0x190;
	s15 =	simm.s32 $0xB270  }
0x47: {  	[tilespmem:s15], [sflag:$0x6] =	stream.indirect.gather [hbm4b:s5+s21], $0x40, s28, s21, $0xb8;
	[tilespmem:$0x1F130] =	vst v63  }
0x48: {  	s30 =	simm.s32 $0x1E0;
	s16 =	simm.s32 $0xC670  }
0x49: {  	[tilespmem:s16], [sflag:$0x7] =	stream.indirect.gather [hbm4b:s5+s21], $0x40, s30, s21, $0xb8;
	[tilespmem:$0x1F130] =	vst v63  }
0x4a: {  	s12 =	simm.s32 $0x1;
	s10 =	simm.s32 $0x230;
	s24 =	simm.s32 $0xDA70  }
0x4b: {  	[tilespmem:s24], [sflag:$0x8] =	stream.indirect.gather [hbm4b:s5+s21], $0x40, s10, s21, $0xb8;
	[tilespmem:$0x1F130] =	vst v63  }
0x4c: {  	_ =	swait.ge [sflag:s12], $0x1400  }
0x4d: {  	[sflag:s12] =	ssyncset.done $0x0  }
0x4e: {  	p1 =	por $0x1, $0x1;
	s28 =	simm.s32 $0x2710;
	[sflag:s12] =	ssyncadd.s32 $0xFFFFEC00  }
0x4f: {  	[spmem:s2] =	stream.indirect.scatter.add.bf16 [tilespmem:s7], [sflag:$0xE], $0x40, s28, s21, $0xb8;
	[tilespmem:$0x1F130] =	vst v63  }
0x50: {  	s8 =	simm.s32 @!p1 $0x16  }
0x51: {  	[spmem:s3] =	stream.indirect.scatter.add.f32 [tilespmem:s20], [sflag:$0x1B], $0x1, s28, s21, $0xb8;
	[tilespmem:$0x1F130] =	vst v63  }
0x52: {  	_ =	swait.ge @!p1 [sflag:s8], $0x1400  }
0x53: {  	[sflag:s8] =	ssyncset.done @!p1 $0x0  }
0x54: {  	s30 =	simm.s32 $0x280;
	s12 =	simm.s32 $0x2;
	[sflag:s8] =	ssyncadd.s32 @!p1 $0xFFFFEC00  }
0x55: {  	[tilespmem:s4], [sflag:$0x9] =	stream.indirect.gather [hbm4b:s5+s21], $0x40, s30, s21, $0xb8;
	[tilespmem:$0x1F130] =	vst v63  }
0x56: {  	_ =	swait.ge [sflag:s12], $0x1400  }
0x57: {  	[sflag:s12] =	ssyncset.done $0x0  }
0x58: {  	s28 =	simm.s32 $0x2760;
	[sflag:s12] =	ssyncadd.s32 $0xFFFFEC00  }
0x59: {  	[spmem:s2] =	stream.indirect.scatter.add.bf16 [tilespmem:s1], [sflag:$0xF], $0x40, s28, s21, $0xb8;
	[tilespmem:$0x1F130] =	vst v63  }
0x5a: {  	s10 =	simm.s32 @!p1 $0x17  }
0x5b: {  	[spmem:s3] =	stream.indirect.scatter.add.f32 [tilespmem:s20], [sflag:$0x1B], $0x1, s28, s21, $0xb8;
	[tilespmem:$0x1F130] =	vst v63  }
0x5c: {  	_ =	swait.ge @!p1 [sflag:s10], $0x1400  }
0x5d: {  	[sflag:s10] =	ssyncset.done @!p1 $0x0  }
0x5e: {  	s30 =	simm.s32 $0x2D0;
	s12 =	simm.s32 $0x3;
	[sflag:s10] =	ssyncadd.s32 @!p1 $0xFFFFEC00  }
0x5f: {  	[tilespmem:s6], [sflag:$0xA] =	stream.indirect.gather [hbm4b:s5+s21], $0x40, s30, s21, $0xb8;
	[tilespmem:$0x1F130] =	vst v63  }
0x60: {  	_ =	swait.ge [sflag:s12], $0x1400  }
0x61: {  	[sflag:s12] =	ssyncset.done $0x0  }
0x62: {  	s28 =	simm.s32 $0x27B0;
	[sflag:s12] =	ssyncadd.s32 $0xFFFFEC00  }
0x63: {  	[spmem:s2] =	stream.indirect.scatter.add.bf16 [tilespmem:s9], [sflag:$0x10], $0x40, s28, s21, $0xb8;
	[tilespmem:$0x1F130] =	vst v63  }
0x64: {  	s10 =	simm.s32 @!p1 $0x18  }
0x65: {  	[spmem:s3] =	stream.indirect.scatter.add.f32 [tilespmem:s20], [sflag:$0x1B], $0x1, s28, s21, $0xb8;
	[tilespmem:$0x1F130] =	vst v63  }
0x66: {  	_ =	swait.ge @!p1 [sflag:s10], $0x1400  }
0x67: {  	[sflag:s10] =	ssyncset.done @!p1 $0x0  }
0x68: {  	s30 =	simm.s32 $0x320;
	s12 =	simm.s32 $0x4;
	[sflag:s10] =	ssyncadd.s32 @!p1 $0xFFFFEC00  }
0x69: {  	[tilespmem:s14], [sflag:$0xB] =	stream.indirect.gather [hbm4b:s5+s21], $0x40, s30, s21, $0xb8;
	[tilespmem:$0x1F130] =	vst v63  }
0x6a: {  	_ =	swait.ge [sflag:s12], $0x1400  }
0x6b: {  	[sflag:s12] =	ssyncset.done $0x0  }
0x6c: {  	s28 =	simm.s32 $0x2800;
	[sflag:s12] =	ssyncadd.s32 $0xFFFFEC00  }
0x6d: {  	[spmem:s2] =	stream.indirect.scatter.add.bf16 [tilespmem:s11], [sflag:$0x11], $0x40, s28, s21, $0xb8;
	[tilespmem:$0x1F130] =	vst v63  }
0x6e: {  	_ = 	snop  }
0x6f: {  	[spmem:s3] =	stream.indirect.scatter.add.f32 [tilespmem:s20], [sflag:$0x1B], $0x1, s28, s21, $0xb8;
	[tilespmem:$0x1F130] =	vst v63  }
0x70: {  	s8 =	simm.s32 @p1 $0x370;
	s10 =	simm.s32 @p1 $0x50;
	s12 =	simm.s32 @p1 $0x12A70  }
0x71: {  	[tilespmem:s12], [sflag:$0xC] =	stream.indirect.gather @p1 [hbm4b:s5+s10], $0x40, s8, s10, $0xb8;
	[tilespmem:$0x1F130] =	vst v63  }
0x72: {  	s8 =	simm.s32 @p1 $0x5  }
0x73: {  	_ =	swait.ge @p1 [sflag:s8], $0x1400  }
0x74: {  	[sflag:s8] =	ssyncset.done @p1 $0x0  }
0x75: {  	s12 =	simm.s32 @p1 $0x2850;
	[sflag:s8] =	ssyncadd.s32 @p1 $0xFFFFEC00;
	s8 =	simm.s32 @p1 $0x9E70  }
0x76: {  	[spmem:s2] =	stream.indirect.scatter.add.bf16 @p1 [tilespmem:s8], [sflag:$0x12], $0x40, s12, s10, $0xb8;
	[tilespmem:$0x1F130] =	vst v63  }
0x77: {  	s8 =	simm.s32 @p1 $0x4E20  }
0x78: {  	[spmem:s3] =	stream.indirect.scatter.add.f32 @p1 [tilespmem:s8], [sflag:$0x1B], $0x1, s12, s10, $0xb8;
	[tilespmem:$0x1F130] =	vst v63  }
0x79: {  	s8 =	simm.s32 @!p1 $0x19  }
0x7a: {  	_ =	swait.ge @!p1 [sflag:s8], $0x1400  }
0x7b: {  	s10 =	simm.s32 @!p1 $0x370;
	[sflag:s8] =	ssyncset.done @!p1 $0x0  }
0x7c: {  	s12 =	simm.s32 @!p1 $0x50;
	[sflag:s8] =	ssyncadd.s32 @!p1 $0xFFFFEC00;
	s8 =	simm.s32 @!p1 $0x12A70  }
0x7d: {  	[tilespmem:s8], [sflag:$0xC] =	stream.indirect.gather @!p1 [hbm4b:s5+s12], $0x40, s10, s12, $0xb8;
	[tilespmem:$0x1F130] =	vst v63  }
0x7e: {  	s8 =	simm.s32 @!p1 $0x5  }
0x7f: {  	_ =	swait.ge @!p1 [sflag:s8], $0x1400  }
0x80: {  	[sflag:s8] =	ssyncset.done @!p1 $0x0  }
0x81: {  	s10 =	simm.s32 @!p1 $0x2850;
	[sflag:s8] =	ssyncadd.s32 @!p1 $0xFFFFEC00;
	s8 =	simm.s32 @!p1 $0x9E70  }
0x82: {  	[spmem:s2] =	stream.indirect.scatter.add.bf16 @!p1 [tilespmem:s8], [sflag:$0x12], $0x40, s10, s12, $0xb8;
	[tilespmem:$0x1F130] =	vst v63  }
0x83: {  	s8 =	simm.s32 @!p1 $0x4E20  }
0x84: {  	[spmem:s3] =	stream.indirect.scatter.add.f32 @!p1 [tilespmem:s8], [sflag:$0x1B], $0x1, s10, s12, $0xb8;
	[tilespmem:$0x1F130] =	vst v63  }
0x85: {  	s8 =	simm.s32 @!p1 $0x1A  }
0x86: {  	_ =	swait.ge @!p1 [sflag:s8], $0x1400  }
0x87: {  	[sflag:s8] =	ssyncset.done @!p1 $0x0  }
0x88: {  	s30 =	simm.s32 $0x3C0;
	[sflag:s8] =	ssyncadd.s32 @!p1 $0xFFFFEC00;
	s8 =	simm.s32 $0x6  }
0x89: {  	[tilespmem:s18], [sflag:$0xD] =	stream.indirect.gather [hbm4b:s5+s21], $0x40, s30, s21, $0xb8;
	[tilespmem:$0x1F130] =	vst v63  }
0x8a: {  	_ =	swait.ge [sflag:s8], $0x1400  }
0x8b: {  	[sflag:s8] =	ssyncset.done $0x0  }
0x8c: {  	s12 =	simm.s32 $0x28A0;
	[sflag:s8] =	ssyncadd.s32 $0xFFFFEC00  }
0x8d: {  	[spmem:s2] =	stream.indirect.scatter.add.bf16 [tilespmem:s15], [sflag:$0x13], $0x40, s12, s21, $0xb8;
	[tilespmem:$0x1F130] =	vst v63  }
0x8e: {  	s28 =	simm.s32 $0xE  }
0x8f: {  	[spmem:s3] =	stream.indirect.scatter.add.f32 [tilespmem:s20], [sflag:$0x1B], $0x1, s12, s21, $0xb8;
	[tilespmem:$0x1F130] =	vst v63  }
0x90: {  	_ =	swait.ge [sflag:s28], $0x1400  }
0x91: {  	[sflag:s28] =	ssyncset.done $0x0  }
0x92: {  	s10 =	simm.s32 $0x7;
	s30 =	simm.s32 $0x410;
	[sflag:s28] =	ssyncadd.s32 $0xFFFFEC00  }
0x93: {  	[tilespmem:s7], [sflag:$0x1] =	stream.indirect.gather [hbm4b:s5+s21], $0x40, s30, s21, $0xb8;
	[tilespmem:$0x1F130] =	vst v63  }
0x94: {  	_ =	swait.ge [sflag:s10], $0x1400  }
0x95: {  	[sflag:s10] =	ssyncset.done $0x0  }
0x96: {  	s12 =	simm.s32 $0x28F0;
	[sflag:s10] =	ssyncadd.s32 $0xFFFFEC00  }
0x97: {  	[spmem:s2] =	stream.indirect.scatter.add.bf16 [tilespmem:s16], [sflag:$0x14], $0x40, s12, s21, $0xb8;
	[tilespmem:$0x1F130] =	vst v63  }
0x98: {  	s28 =	simm.s32 $0xF  }
0x99: {  	[spmem:s3] =	stream.indirect.scatter.add.f32 [tilespmem:s20], [sflag:$0x1B], $0x1, s12, s21, $0xb8;
	[tilespmem:$0x1F130] =	vst v63  }
0x9a: {  	_ =	swait.ge [sflag:s28], $0x1400  }
0x9b: {  	[sflag:s28] =	ssyncset.done $0x0  }
0x9c: {  	s30 =	simm.s32 $0x460;
	s10 =	simm.s32 $0x8;
	[sflag:s28] =	ssyncadd.s32 $0xFFFFEC00  }
0x9d: {  	[tilespmem:s1], [sflag:$0x2] =	stream.indirect.gather [hbm4b:s5+s21], $0x40, s30, s21, $0xb8;
	[tilespmem:$0x1F130] =	vst v63  }
0x9e: {  	_ =	swait.ge [sflag:s10], $0x1400  }
0x9f: {  	[sflag:s10] =	ssyncset.done $0x0  }
0xa0: {  	s12 =	simm.s32 $0x2940;
	[sflag:s10] =	ssyncadd.s32 $0xFFFFEC00  }
0xa1: {  	[spmem:s2] =	stream.indirect.scatter.add.bf16 [tilespmem:s24], [sflag:$0x15], $0x40, s12, s21, $0xb8;
	[tilespmem:$0x1F130] =	vst v63  }
0xa2: {  	s28 =	simm.s32 $0x10  }
0xa3: {  	[spmem:s3] =	stream.indirect.scatter.add.f32 [tilespmem:s20], [sflag:$0x1B], $0x1, s12, s21, $0xb8;
	[tilespmem:$0x1F130] =	vst v63  }
0xa4: {  	_ =	swait.ge [sflag:s28], $0x1400  }
0xa5: {  	[sflag:s28] =	ssyncset.done $0x0  }
0xa6: {  	s30 =	simm.s32 $0x4B0;
	[sflag:s28] =	ssyncadd.s32 $0xFFFFEC00  }
0xa7: {  	[tilespmem:s9], [sflag:$0x3] =	stream.indirect.gather [hbm4b:s5+s21], $0x40, s30, s21, $0xb8;
	[tilespmem:$0x1F130] =	vst v63  }
0xa8: {  	_ =	swait.ge [sflag:s25], $0x1400  }
0xa9: {  	[sflag:s25] =	ssyncset.done $0x0  }
0xaa: {  	s7 =	simm.s32 $0x2990;
	[sflag:s25] =	ssyncadd.s32 $0xFFFFEC00  }
0xab: {  	[spmem:s2] =	stream.indirect.scatter.add.bf16 [tilespmem:s4], [sflag:$0x16], $0x40, s7, s21, $0xb8;
	[tilespmem:$0x1F130] =	vst v63  }
0xac: {  	s9 =	simm.s32 $0x11  }
0xad: {  	[spmem:s3] =	stream.indirect.scatter.add.f32 [tilespmem:s20], [sflag:$0x1B], $0x1, s7, s21, $0xb8;
	[tilespmem:$0x1F130] =	vst v63  }
0xae: {  	_ =	swait.ge [sflag:s9], $0x1400  }
0xaf: {  	[sflag:s9] =	ssyncset.done $0x0  }
0xb0: {  	s10 =	simm.s32 $0x500;
	[sflag:s9] =	ssyncadd.s32 $0xFFFFEC00  }
0xb1: {  	[tilespmem:s11], [sflag:$0x4] =	stream.indirect.gather [hbm4b:s5+s21], $0x40, s10, s21, $0xb8;
	[tilespmem:$0x1F130] =	vst v63  }
0xb2: {  	_ =	swait.ge [sflag:s17], $0x1400  }
0xb3: {  	[sflag:s17] =	ssyncset.done $0x0  }
0xb4: {  	s11 =	simm.s32 $0x29E0;
	[sflag:s17] =	ssyncadd.s32 $0xFFFFEC00  }
0xb5: {  	[spmem:s2] =	stream.indirect.scatter.add.bf16 [tilespmem:s6], [sflag:$0x17], $0x40, s11, s21, $0xb8;
	[tilespmem:$0x1F130] =	vst v63  }
0xb6: {  	_ = 	snop  }
0xb7: {  	[spmem:s3] =	stream.indirect.scatter.add.f32 [tilespmem:s20], [sflag:$0x1B], $0x1, s11, s21, $0xb8;
	[tilespmem:$0x1F130] =	vst v63  }
0xb8: {  	_ =	swait.ge [sflag:s19], $0x1400  }
0xb9: {  	[sflag:s19] =	ssyncset.done $0x0  }
0xba: {  	s12 =	simm.s32 $0x550;
	[sflag:s19] =	ssyncadd.s32 $0xFFFFEC00  }
0xbb: {  	[tilespmem:s13], [sflag:$0x5] =	stream.indirect.gather [hbm4b:s5+s21], $0x40, s12, s21, $0xb8;
	[tilespmem:$0x1F130] =	vst v63  }
0xbc: {  	_ =	swait.ge [sflag:s31], $0x1400  }
0xbd: {  	[sflag:s31] =	ssyncset.done $0x0  }
0xbe: {  	s13 =	simm.s32 $0x2A30;
	[sflag:s31] =	ssyncadd.s32 $0xFFFFEC00  }
0xbf: {  	[spmem:s2] =	stream.indirect.scatter.add.bf16 [tilespmem:s14], [sflag:$0x18], $0x40, s13, s21, $0xb8;
	[tilespmem:$0x1F130] =	vst v63  }
0xc0: {  	_ = 	snop  }
0xc1: {  	[spmem:s3] =	stream.indirect.scatter.add.f32 [tilespmem:s20], [sflag:$0x1B], $0x1, s13, s21, $0xb8;
	[tilespmem:$0x1F130] =	vst v63  }
0xc2: {  	_ =	swait.ge [sflag:s22], $0x1400  }
0xc3: {  	[sflag:s22] =	ssyncset.done $0x0  }
0xc4: {  	s14 =	simm.s32 $0x5A0;
	[sflag:s22] =	ssyncadd.s32 $0xFFFFEC00  }
0xc5: {  	[tilespmem:s15], [sflag:$0x6] =	stream.indirect.gather [hbm4b:s5+s21], $0x40, s14, s21, $0xb8;
	[tilespmem:$0x1F130] =	vst v63  }
0xc6: {  	_ =	swait.ge [sflag:s23], $0x1400  }
0xc7: {  	[sflag:s23] =	ssyncset.done $0x0  }
0xc8: {  	s25 =	simm.s32 $0x2A80;
	s24 =	rddreg [dreg:$0x5];
	[sflag:s23] =	ssyncadd.s32 $0xFFFFEC00  }
0xc9: {  	[spmem:s2] =	stream.indirect.scatter.add.bf16 [tilespmem:s24], [sflag:$0x19], $0x40, s25, s21, $0xb8;
	[tilespmem:$0x1F130] =	vst v63  }
0xca: {  	_ = 	snop  }
0xcb: {  	[spmem:s3] =	stream.indirect.scatter.add.f32 [tilespmem:s20], [sflag:$0x1B], $0x1, s25, s21, $0xb8;
	[tilespmem:$0x1F130] =	vst v63  }
0xcc: {  	_ =	swait.ge [sflag:s26], $0x1400  }
0xcd: {  	[sflag:s26] =	ssyncset.done $0x0  }
0xce: {  	s28 =	simm.s32 $0x5F0;
	[sflag:s26] =	ssyncadd.s32 $0xFFFFEC00  }
0xcf: {  	[tilespmem:s16], [sflag:$0x7] =	stream.indirect.gather [hbm4b:s5+s21], $0x40, s28, s21, $0xb8;
	[tilespmem:$0x1F130] =	vst v63  }
0xd0: {  	_ =	swait.ge [sflag:s29], $0x1400  }
0xd1: {  	[sflag:s29] =	ssyncset.done $0x0  }
0xd2: {  	s30 =	simm.s32 $0x2AD0;
	[sflag:s29] =	ssyncadd.s32 $0xFFFFEC00  }
0xd3: {  	[spmem:s2] =	stream.indirect.scatter.add.bf16 [tilespmem:s18], [sflag:$0x1A], $0x40, s30, s21, $0xb8;
	[tilespmem:$0x1F130] =	vst v63  }
0xd4: {  	s8 =	simm.s32 $0x640;
	s4 =	simm.s32 $0xEE70  }
0xd5: {  	[spmem:s3] =	stream.indirect.scatter.add.f32 [tilespmem:s20], [sflag:$0x1B], $0x1, s30, s21, $0xb8;
	[tilespmem:$0x1F130] =	vst v63  }
0xd6: {  	s6 =	simm.s32 $0x10270;
	s14 =	simm.s32 $0x11670;
	_ =	swait.ge [sflag:s0], $0x1400  }
0xd7: {  	s24 =	simm.s32 $0x1040;
	s18 =	simm.s32 $0x13E70;
	[sflag:s0] =	ssyncset.done $0x0  }
.LBB2_2:
0xd8: {  	[sflag:s0] =	ssyncadd.s32 $0xFFFFEC00;
	s25 =	simm.s32 $0xDA70;
	s1 =	simm.s32 $0x1  }
0xd9: {  	[tilespmem:s25], [sflag:$0x8] =	stream.indirect.gather [hbm4b:s5+s21], $0x40, s8, s21, $0xb8;
	[tilespmem:$0x1F130] =	vst v63  }
0xda: {  	s12 =	smov.u32 s24;
	_ =	swait.ge [sflag:s1], $0x1400  }
0xdb: {  	s11 =	simm.s32 $0x4E70;
	s30 =	sshra.s32 s12, $0x2;
	[sflag:s1] =	ssyncset.done $0x0  }
0xdc: {  	p2 =	seq.s32 s12, $0x0;
	s13 =	sadd.s32 $0x2710, s30;
	[sflag:s1] =	ssyncadd.s32 $0xFFFFEC00  }
0xdd: {  	[spmem:s2] =	stream.indirect.scatter.add.bf16 [tilespmem:s11], [sflag:$0xE], $0x40, s13, s21, $0xb8;
	[tilespmem:$0x1F130] =	vst v63  }
0xde: {  	s1 =	simm.s32 @!p2 $0x16  }
0xdf: {  	[spmem:s3] =	stream.indirect.scatter.add.f32 [tilespmem:s20], [sflag:$0x1B], $0x1, s13, s21, $0xb8;
	[tilespmem:$0x1F130] =	vst v63  }
0xe0: {  	_ =	swait.ge @!p2 [sflag:s1], $0x1400  }
0xe1: {  	[sflag:s1] =	ssyncset.done @!p2 $0x0  }
0xe2: {  	s15 =	simm.s32 $0x2;
	s7 =	sadd.s32 $0x280, s30;
	[sflag:s1] =	ssyncadd.s32 @!p2 $0xFFFFEC00  }
0xe3: {  	[tilespmem:s4], [sflag:$0x9] =	stream.indirect.gather [hbm4b:s5+s21], $0x40, s7, s21, $0xb8;
	[tilespmem:$0x1F130] =	vst v63  }
0xe4: {  	_ =	swait.ge [sflag:s15], $0x1400  }
0xe5: {  	[sflag:s15] =	ssyncset.done $0x0  }
0xe6: {  	s16 =	sadd.s32 $0x2760, s30;
	s13 =	simm.s32 $0x6270;
	[sflag:s15] =	ssyncadd.s32 $0xFFFFEC00  }
0xe7: {  	[spmem:s2] =	stream.indirect.scatter.add.bf16 [tilespmem:s13], [sflag:$0xF], $0x40, s16, s21, $0xb8;
	[tilespmem:$0x1F130] =	vst v63  }
0xe8: {  	s7 =	simm.s32 @!p2 $0x17  }
0xe9: {  	[spmem:s3] =	stream.indirect.scatter.add.f32 [tilespmem:s20], [sflag:$0x1B], $0x1, s16, s21, $0xb8;
	[tilespmem:$0x1F130] =	vst v63  }
0xea: {  	_ =	swait.ge @!p2 [sflag:s7], $0x1400  }
0xeb: {  	[sflag:s7] =	ssyncset.done @!p2 $0x0  }
0xec: {  	s9 =	sadd.s32 $0x2D0, s30;
	s15 =	simm.s32 $0x3;
	[sflag:s7] =	ssyncadd.s32 @!p2 $0xFFFFEC00  }
0xed: {  	[tilespmem:s6], [sflag:$0xA] =	stream.indirect.gather [hbm4b:s5+s21], $0x40, s9, s21, $0xb8;
	[tilespmem:$0x1F130] =	vst v63  }
0xee: {  	_ =	swait.ge [sflag:s15], $0x1400  }
0xef: {  	[sflag:s15] =	ssyncset.done $0x0  }
0xf0: {  	s16 =	sadd.s32 $0x27B0, s30;
	[sflag:s15] =	ssyncadd.s32 $0xFFFFEC00;
	s15 =	simm.s32 $0x7670  }
0xf1: {  	[spmem:s2] =	stream.indirect.scatter.add.bf16 [tilespmem:s15], [sflag:$0x10], $0x40, s16, s21, $0xb8;
	[tilespmem:$0x1F130] =	vst v63  }
0xf2: {  	s7 =	simm.s32 @!p2 $0x18  }
0xf3: {  	[spmem:s3] =	stream.indirect.scatter.add.f32 [tilespmem:s20], [sflag:$0x1B], $0x1, s16, s21, $0xb8;
	[tilespmem:$0x1F130] =	vst v63  }
0xf4: {  	_ =	swait.ge @!p2 [sflag:s7], $0x1400  }
0xf5: {  	[sflag:s7] =	ssyncset.done @!p2 $0x0  }
0xf6: {  	s9 =	sadd.s32 $0x320, s30;
	s16 =	simm.s32 $0x4;
	[sflag:s7] =	ssyncadd.s32 @!p2 $0xFFFFEC00  }
0xf7: {  	[tilespmem:s14], [sflag:$0xB] =	stream.indirect.gather [hbm4b:s5+s21], $0x40, s9, s21, $0xb8;
	[tilespmem:$0x1F130] =	vst v63  }
0xf8: {  	_ =	swait.ge [sflag:s16], $0x1400  }
0xf9: {  	s10 =	sshra.s32 @p2 s12, $0x2;
	[sflag:s16] =	ssyncset.done $0x0  }
0xfa: {  	s1 =	sadd.s32 $0x2800, s30;
	[sflag:s16] =	ssyncadd.s32 $0xFFFFEC00;
	s16 =	simm.s32 $0x8A70  }
0xfb: {  	[spmem:s2] =	stream.indirect.scatter.add.bf16 [tilespmem:s16], [sflag:$0x11], $0x40, s1, s21, $0xb8;
	[tilespmem:$0x1F130] =	vst v63  }
0xfc: {  	s28 =	sshra.s32 @!p2 s12, $0x2;
	s12 =	sadd.s32 @p2 $0x370, s10  }
0xfd: {  	[spmem:s3] =	stream.indirect.scatter.add.f32 [tilespmem:s20], [sflag:$0x1B], $0x1, s1, s21, $0xb8;
	[tilespmem:$0x1F130] =	vst v63  }
0xfe: {  	s7 =	simm.s32 @p2 $0x50;
	s9 =	simm.s32 @p2 $0x12A70;
	s1 =	simm.s32 @p2 $0x5  }
0xff: {  	[tilespmem:s9], [sflag:$0xC] =	stream.indirect.gather @p2 [hbm4b:s5+s7], $0x40, s12, s7, $0xb8;
	[tilespmem:$0x1F130] =	vst v63  }
0x100: {  	_ =	swait.ge @p2 [sflag:s1], $0x1400  }
0x101: {  	[sflag:s1] =	ssyncset.done @p2 $0x0  }
0x102: {  	s9 =	sadd.s32 @p2 $0x2850, s10;
	s10 =	simm.s32 @p2 $0x9E70;
	[sflag:s1] =	ssyncadd.s32 @p2 $0xFFFFEC00  }
0x103: {  	[spmem:s2] =	stream.indirect.scatter.add.bf16 @p2 [tilespmem:s10], [sflag:$0x12], $0x40, s9, s7, $0xb8;
	[tilespmem:$0x1F130] =	vst v63  }
0x104: {  	s1 =	simm.s32 @p2 $0x4E20;
	s10 =	simm.s32 @!p2 $0x19  }
0x105: {  	[spmem:s3] =	stream.indirect.scatter.add.f32 @p2 [tilespmem:s1], [sflag:$0x1B], $0x1, s9, s7, $0xb8;
	[tilespmem:$0x1F130] =	vst v63  }
0x106: {  	_ =	swait.ge @!p2 [sflag:s10], $0x1400  }
0x107: {  	s8 =	sadd.s32 @!p2 $0x370, s28;
	s1 =	simm.s32 @!p2 $0x50;
	[sflag:s10] =	ssyncset.done @!p2 $0x0  }
0x108: {  	s7 =	simm.s32 @!p2 $0x12A70;
	s9 =	simm.s32 @!p2 $0x5;
	[sflag:s10] =	ssyncadd.s32 @!p2 $0xFFFFEC00  }
0x109: {  	[tilespmem:s7], [sflag:$0xC] =	stream.indirect.gather @!p2 [hbm4b:s5+s1], $0x40, s8, s1, $0xb8;
	[tilespmem:$0x1F130] =	vst v63  }
0x10a: {  	_ =	swait.ge @!p2 [sflag:s9], $0x1400  }
0x10b: {  	[sflag:s9] =	ssyncset.done @!p2 $0x0  }
0x10c: {  	s7 =	sadd.s32 @!p2 $0x2850, s28;
	s8 =	simm.s32 @!p2 $0x9E70;
	[sflag:s9] =	ssyncadd.s32 @!p2 $0xFFFFEC00  }
0x10d: {  	[spmem:s2] =	stream.indirect.scatter.add.bf16 @!p2 [tilespmem:s8], [sflag:$0x12], $0x40, s7, s1, $0xb8;
	[tilespmem:$0x1F130] =	vst v63  }
0x10e: {  	s9 =	simm.s32 @!p2 $0x4E20;
	s8 =	simm.s32 @!p2 $0x1A  }
0x10f: {  	[spmem:s3] =	stream.indirect.scatter.add.f32 @!p2 [tilespmem:s9], [sflag:$0x1B], $0x1, s7, s1, $0xb8;
	[tilespmem:$0x1F130] =	vst v63  }
0x110: {  	_ =	swait.ge @!p2 [sflag:s8], $0x1400  }
0x111: {  	[sflag:s8] =	ssyncset.done @!p2 $0x0  }
0x112: {  	s7 =	sadd.s32 $0x3C0, s30;
	s9 =	simm.s32 $0x6;
	[sflag:s8] =	ssyncadd.s32 @!p2 $0xFFFFEC00  }
0x113: {  	[tilespmem:s18], [sflag:$0xD] =	stream.indirect.gather [hbm4b:s5+s21], $0x40, s7, s21, $0xb8;
	[tilespmem:$0x1F130] =	vst v63  }
0x114: {  	_ =	swait.ge [sflag:s9], $0x1400  }
0x115: {  	[sflag:s9] =	ssyncset.done $0x0  }
0x116: {  	s10 =	sadd.s32 $0x28A0, s30;
	s8 =	simm.s32 $0xB270;
	[sflag:s9] =	ssyncadd.s32 $0xFFFFEC00  }
0x117: {  	[spmem:s2] =	stream.indirect.scatter.add.bf16 [tilespmem:s8], [sflag:$0x13], $0x40, s10, s21, $0xb8;
	[tilespmem:$0x1F130] =	vst v63  }
0x118: {  	s12 =	simm.s32 $0xE  }
0x119: {  	[spmem:s3] =	stream.indirect.scatter.add.f32 [tilespmem:s20], [sflag:$0x1B], $0x1, s10, s21, $0xb8;
	[tilespmem:$0x1F130] =	vst v63  }
0x11a: {  	_ =	swait.ge [sflag:s12], $0x1400  }
0x11b: {  	[sflag:s12] =	ssyncset.done $0x0  }
0x11c: {  	s28 =	sadd.s32 $0x410, s30;
	s1 =	simm.s32 $0x7;
	[sflag:s12] =	ssyncadd.s32 $0xFFFFEC00  }
0x11d: {  	[tilespmem:s11], [sflag:$0x1] =	stream.indirect.gather [hbm4b:s5+s21], $0x40, s28, s21, $0xb8;
	[tilespmem:$0x1F130] =	vst v63  }
0x11e: {  	_ =	swait.ge [sflag:s1], $0x1400  }
0x11f: {  	[sflag:s1] =	ssyncset.done $0x0  }
0x120: {  	s10 =	sadd.s32 $0x28F0, s30;
	s28 =	simm.s32 $0xC670;
	[sflag:s1] =	ssyncadd.s32 $0xFFFFEC00  }
0x121: {  	[spmem:s2] =	stream.indirect.scatter.add.bf16 [tilespmem:s28], [sflag:$0x14], $0x40, s10, s21, $0xb8;
	[tilespmem:$0x1F130] =	vst v63  }
0x122: {  	s11 =	simm.s32 $0xF  }
0x123: {  	[spmem:s3] =	stream.indirect.scatter.add.f32 [tilespmem:s20], [sflag:$0x1B], $0x1, s10, s21, $0xb8;
	[tilespmem:$0x1F130] =	vst v63  }
0x124: {  	_ =	swait.ge [sflag:s11], $0x1400  }
0x125: {  	[sflag:s11] =	ssyncset.done $0x0  }
0x126: {  	s12 =	sadd.s32 $0x460, s30;
	s1 =	simm.s32 $0x8;
	[sflag:s11] =	ssyncadd.s32 $0xFFFFEC00  }
0x127: {  	[tilespmem:s13], [sflag:$0x2] =	stream.indirect.gather [hbm4b:s5+s21], $0x40, s12, s21, $0xb8;
	[tilespmem:$0x1F130] =	vst v63  }
0x128: {  	_ =	swait.ge [sflag:s1], $0x1400  }
0x129: {  	[sflag:s1] =	ssyncset.done $0x0  }
0x12a: {  	s11 =	sadd.s32 $0x2940, s30;
	[sflag:s1] =	ssyncadd.s32 $0xFFFFEC00  }
0x12b: {  	[spmem:s2] =	stream.indirect.scatter.add.bf16 [tilespmem:s25], [sflag:$0x15], $0x40, s11, s21, $0xb8;
	[tilespmem:$0x1F130] =	vst v63  }
0x12c: {  	s12 =	simm.s32 $0x10  }
0x12d: {  	[spmem:s3] =	stream.indirect.scatter.add.f32 [tilespmem:s20], [sflag:$0x1B], $0x1, s11, s21, $0xb8;
	[tilespmem:$0x1F130] =	vst v63  }
0x12e: {  	_ =	swait.ge [sflag:s12], $0x1400  }
0x12f: {  	[sflag:s12] =	ssyncset.done $0x0  }
0x130: {  	s13 =	sadd.s32 $0x4B0, s30;
	s25 =	simm.s32 $0x9;
	[sflag:s12] =	ssyncadd.s32 $0xFFFFEC00  }
0x131: {  	[tilespmem:s15], [sflag:$0x3] =	stream.indirect.gather [hbm4b:s5+s21], $0x40, s13, s21, $0xb8;
	[tilespmem:$0x1F130] =	vst v63  }
0x132: {  	_ =	swait.ge [sflag:s25], $0x1400  }
0x133: {  	[sflag:s25] =	ssyncset.done $0x0  }
0x134: {  	s12 =	sadd.s32 $0x2990, s30;
	[sflag:s25] =	ssyncadd.s32 $0xFFFFEC00  }
0x135: {  	[spmem:s2] =	stream.indirect.scatter.add.bf16 [tilespmem:s4], [sflag:$0x16], $0x40, s12, s21, $0xb8;
	[tilespmem:$0x1F130] =	vst v63  }
0x136: {  	s13 =	simm.s32 $0x11  }
0x137: {  	[spmem:s3] =	stream.indirect.scatter.add.f32 [tilespmem:s20], [sflag:$0x1B], $0x1, s12, s21, $0xb8;
	[tilespmem:$0x1F130] =	vst v63  }
0x138: {  	_ =	swait.ge [sflag:s13], $0x1400  }
0x139: {  	[sflag:s13] =	ssyncset.done $0x0  }
0x13a: {  	s15 =	sadd.s32 $0x500, s30;
	[sflag:s13] =	ssyncadd.s32 $0xFFFFEC00  }
0x13b: {  	[tilespmem:s16], [sflag:$0x4] =	stream.indirect.gather [hbm4b:s5+s21], $0x40, s15, s21, $0xb8;
	[tilespmem:$0x1F130] =	vst v63  }
0x13c: {  	_ =	swait.ge [sflag:s17], $0x1400  }
0x13d: {  	[sflag:s17] =	ssyncset.done $0x0  }
0x13e: {  	s7 =	sadd.s32 $0x29E0, s30;
	[sflag:s17] =	ssyncadd.s32 $0xFFFFEC00  }
0x13f: {  	[spmem:s2] =	stream.indirect.scatter.add.bf16 [tilespmem:s6], [sflag:$0x17], $0x40, s7, s21, $0xb8;
	[tilespmem:$0x1F130] =	vst v63  }
0x140: {  	_ = 	snop  }
0x141: {  	[spmem:s3] =	stream.indirect.scatter.add.f32 [tilespmem:s20], [sflag:$0x1B], $0x1, s7, s21, $0xb8;
	[tilespmem:$0x1F130] =	vst v63  }
0x142: {  	_ =	swait.ge [sflag:s19], $0x1400  }
0x143: {  	[sflag:s19] =	ssyncset.done $0x0  }
0x144: {  	s13 =	sadd.s32 $0x550, s30;
	s15 =	simm.s32 $0x9E70;
	[sflag:s19] =	ssyncadd.s32 $0xFFFFEC00  }
0x145: {  	[tilespmem:s15], [sflag:$0x5] =	stream.indirect.gather [hbm4b:s5+s21], $0x40, s13, s21, $0xb8;
	[tilespmem:$0x1F130] =	vst v63  }
0x146: {  	_ =	swait.ge [sflag:s31], $0x1400  }
0x147: {  	[sflag:s31] =	ssyncset.done $0x0  }
0x148: {  	s16 =	sadd.s32 $0x2A30, s30;
	[sflag:s31] =	ssyncadd.s32 $0xFFFFEC00  }
0x149: {  	[spmem:s2] =	stream.indirect.scatter.add.bf16 [tilespmem:s14], [sflag:$0x18], $0x40, s16, s21, $0xb8;
	[tilespmem:$0x1F130] =	vst v63  }
0x14a: {  	_ = 	snop  }
0x14b: {  	[spmem:s3] =	stream.indirect.scatter.add.f32 [tilespmem:s20], [sflag:$0x1B], $0x1, s16, s21, $0xb8;
	[tilespmem:$0x1F130] =	vst v63  }
0x14c: {  	_ =	swait.ge [sflag:s22], $0x1400  }
0x14d: {  	[sflag:s22] =	ssyncset.done $0x0  }
0x14e: {  	s7 =	sadd.s32 $0x5A0, s30;
	[sflag:s22] =	ssyncadd.s32 $0xFFFFEC00  }
0x14f: {  	[tilespmem:s8], [sflag:$0x6] =	stream.indirect.gather [hbm4b:s5+s21], $0x40, s7, s21, $0xb8;
	[tilespmem:$0x1F130] =	vst v63  }
0x150: {  	_ =	swait.ge [sflag:s23], $0x1400  }
0x151: {  	[sflag:s23] =	ssyncset.done $0x0  }
0x152: {  	s15 =	sadd.s32 $0x2A80, s30;
	s8 =	rddreg [dreg:$0x5];
	[sflag:s23] =	ssyncadd.s32 $0xFFFFEC00  }
0x153: {  	[spmem:s2] =	stream.indirect.scatter.add.bf16 [tilespmem:s8], [sflag:$0x19], $0x40, s15, s21, $0xb8;
	[tilespmem:$0x1F130] =	vst v63  }
0x154: {  	_ = 	snop  }
0x155: {  	[spmem:s3] =	stream.indirect.scatter.add.f32 [tilespmem:s20], [sflag:$0x1B], $0x1, s15, s21, $0xb8;
	[tilespmem:$0x1F130] =	vst v63  }
0x156: {  	_ =	swait.ge [sflag:s26], $0x1400  }
0x157: {  	[sflag:s26] =	ssyncset.done $0x0  }
0x158: {  	s16 =	sadd.s32 $0x5F0, s30;
	[sflag:s26] =	ssyncadd.s32 $0xFFFFEC00  }
0x159: {  	[tilespmem:s28], [sflag:$0x7] =	stream.indirect.gather [hbm4b:s5+s21], $0x40, s16, s21, $0xb8;
	[tilespmem:$0x1F130] =	vst v63  }
0x15a: {  	_ =	swait.ge [sflag:s29], $0x1400  }
0x15b: {  	s24 =	sadd.s32 $0x1040, s24;
	[sflag:s29] =	ssyncset.done $0x0  }
0x15c: {  	p1 =	sne.s32 s24, $0x9240;
	s28 =	sadd.s32 $0x2AD0, s30;
	[sflag:s29] =	ssyncadd.s32 $0xFFFFEC00  }
0x15d: {  	[spmem:s2] =	stream.indirect.scatter.add.bf16 [tilespmem:s18], [sflag:$0x1A], $0x40, s28, s21, $0xb8;
	[tilespmem:$0x1F130] =	vst v63  }
.Ltmp0:
0x15e: {  	_ = 	snop;
	(pc) =	sbr.rel @p1 .LBB2_2-.Ltmp0, $4  }
0x15f: {  	s9 =	simm.s32 $0x4E70;
	s10 =	simm.s32 $0x6270;
	s11 =	simm.s32 $0x7670  }
0x160: {  	[spmem:s3] =	stream.indirect.scatter.add.f32 [tilespmem:s20], [sflag:$0x1B], $0x1, s28, s21, $0xb8;
	[tilespmem:$0x1F130] =	vst v63  }
0x161: {  	s12 =	simm.s32 $0x8A70;
	s13 =	simm.s32 $0xB270;
	_ =	swait.ge [sflag:s0], $0x1400  }
0x162: {  	s7 =	simm.s32 $0xC670;
	s8 =	sadd.s32 $0x640, s30;
	[sflag:s0] =	ssyncset.done $0x0  }
0x163: {  	[sflag:s0] =	ssyncadd.s32 $0xFFFFEC00;
	s15 =	simm.s32 $0xDA70;
	s1 =	simm.s32 $0x1  }
0x164: {  	[tilespmem:s15], [sflag:$0x8] =	stream.indirect.gather [hbm4b:s5+s21], $0x40, s8, s21, $0xb8;
	[tilespmem:$0x1F130] =	vst v63  }
0x165: {  	_ =	swait.ge [sflag:s1], $0x1400  }
0x166: {  	[sflag:s1] =	ssyncset.done $0x0  }
0x167: {  	s4 =	simm.s32 $0x4BA0;
	[sflag:s1] =	ssyncadd.s32 $0xFFFFEC00  }
0x168: {  	[spmem:s2] =	stream.indirect.scatter.add.bf16 [tilespmem:s9], [sflag:$0xE], $0x40, s4, s21, $0xb8;
	[tilespmem:$0x1F130] =	vst v63  }
0x169: {  	s6 =	simm.s32 $0x2  }
0x16a: {  	[spmem:s3] =	stream.indirect.scatter.add.f32 [tilespmem:s20], [sflag:$0x1B], $0x1, s4, s21, $0xb8;
	[tilespmem:$0x1F130] =	vst v63  }
0x16b: {  	_ =	swait.ge [sflag:s6], $0x1400  }
0x16c: {  	[sflag:s6] =	ssyncset.done $0x0  }
0x16d: {  	s8 =	simm.s32 $0x4BF0;
	[sflag:s6] =	ssyncadd.s32 $0xFFFFEC00  }
0x16e: {  	[spmem:s2] =	stream.indirect.scatter.add.bf16 [tilespmem:s10], [sflag:$0xF], $0x40, s8, s21, $0xb8;
	[tilespmem:$0x1F130] =	vst v63  }
0x16f: {  	s9 =	simm.s32 $0x3  }
0x170: {  	[spmem:s3] =	stream.indirect.scatter.add.f32 [tilespmem:s20], [sflag:$0x1B], $0x1, s8, s21, $0xb8;
	[tilespmem:$0x1F130] =	vst v63  }
0x171: {  	_ =	swait.ge [sflag:s9], $0x1400  }
0x172: {  	[sflag:s9] =	ssyncset.done $0x0  }
0x173: {  	s10 =	simm.s32 $0x4C40;
	[sflag:s9] =	ssyncadd.s32 $0xFFFFEC00  }
0x174: {  	[spmem:s2] =	stream.indirect.scatter.add.bf16 [tilespmem:s11], [sflag:$0x10], $0x40, s10, s21, $0xb8;
	[tilespmem:$0x1F130] =	vst v63  }
0x175: {  	s11 =	simm.s32 $0x4  }
0x176: {  	[spmem:s3] =	stream.indirect.scatter.add.f32 [tilespmem:s20], [sflag:$0x1B], $0x1, s10, s21, $0xb8;
	[tilespmem:$0x1F130] =	vst v63  }
0x177: {  	_ =	swait.ge [sflag:s11], $0x1400  }
0x178: {  	[sflag:s11] =	ssyncset.done $0x0  }
0x179: {  	s14 =	simm.s32 $0x4C90;
	[sflag:s11] =	ssyncadd.s32 $0xFFFFEC00  }
0x17a: {  	[spmem:s2] =	stream.indirect.scatter.add.bf16 [tilespmem:s12], [sflag:$0x11], $0x40, s14, s21, $0xb8;
	[tilespmem:$0x1F130] =	vst v63  }
0x17b: {  	s16 =	simm.s32 $0x5  }
0x17c: {  	[spmem:s3] =	stream.indirect.scatter.add.f32 [tilespmem:s20], [sflag:$0x1B], $0x1, s14, s21, $0xb8;
	[tilespmem:$0x1F130] =	vst v63  }
0x17d: {  	_ =	swait.ge [sflag:s16], $0x1400  }
0x17e: {  	[sflag:s16] =	ssyncset.done $0x0  }
0x17f: {  	s18 =	simm.s32 $0x9E70;
	s4 =	simm.s32 $0x4CE0;
	[sflag:s16] =	ssyncadd.s32 $0xFFFFEC00  }
0x180: {  	[spmem:s2] =	stream.indirect.scatter.add.bf16 [tilespmem:s18], [sflag:$0x12], $0x40, s4, s21, $0xb8;
	[tilespmem:$0x1F130] =	vst v63  }
0x181: {  	s24 =	simm.s32 $0x6  }
0x182: {  	[spmem:s3] =	stream.indirect.scatter.add.f32 [tilespmem:s20], [sflag:$0x1B], $0x1, s4, s21, $0xb8;
	[tilespmem:$0x1F130] =	vst v63  }
0x183: {  	_ =	swait.ge [sflag:s24], $0x1400  }
0x184: {  	[sflag:s24] =	ssyncset.done $0x0  }
0x185: {  	s28 =	simm.s32 $0x4D30;
	[sflag:s24] =	ssyncadd.s32 $0xFFFFEC00  }
0x186: {  	[spmem:s2] =	stream.indirect.scatter.add.bf16 [tilespmem:s13], [sflag:$0x13], $0x40, s28, s21, $0xb8;
	[tilespmem:$0x1F130] =	vst v63  }
0x187: {  	s30 =	simm.s32 $0x7  }
0x188: {  	[spmem:s3] =	stream.indirect.scatter.add.f32 [tilespmem:s20], [sflag:$0x1B], $0x1, s28, s21, $0xb8;
	[tilespmem:$0x1F130] =	vst v63  }
0x189: {  	_ =	swait.ge [sflag:s30], $0x1400  }
0x18a: {  	[sflag:s30] =	ssyncset.done $0x0  }
0x18b: {  	s4 =	simm.s32 $0x4D80;
	[sflag:s30] =	ssyncadd.s32 $0xFFFFEC00  }
0x18c: {  	[spmem:s2] =	stream.indirect.scatter.add.bf16 [tilespmem:s7], [sflag:$0x14], $0x40, s4, s21, $0xb8;
	[tilespmem:$0x1F130] =	vst v63  }
0x18d: {  	s6 =	simm.s32 $0x8  }
0x18e: {  	[spmem:s3] =	stream.indirect.scatter.add.f32 [tilespmem:s20], [sflag:$0x1B], $0x1, s4, s21, $0xb8;
	[tilespmem:$0x1F130] =	vst v63  }
0x18f: {  	_ =	swait.ge [sflag:s6], $0x1400  }
0x190: {  	[sflag:s6] =	ssyncset.done $0x0  }
0x191: {  	s7 =	simm.s32 $0x4DD0;
	[sflag:s6] =	ssyncadd.s32 $0xFFFFEC00  }
0x192: {  	[spmem:s2] =	stream.indirect.scatter.add.bf16 [tilespmem:s15], [sflag:$0x15], $0x40, s7, s21, $0xb8;
	[tilespmem:$0x1F130] =	vst v63  }
0x193: {  	s8 =	simm.s32 $0xE  }
0x194: {  	[spmem:s3] =	stream.indirect.scatter.add.f32 [tilespmem:s20], [sflag:$0x1B], $0x1, s7, s21, $0xb8;
	[tilespmem:$0x1F130] =	vst v63  }
0x195: {  	_ =	swait.ge [sflag:s8], $0x1400  }
0x196: {  	[sflag:s8] =	ssyncset.done $0x0  }
0x197: {  	s9 =	simm.s32 $0xF;
	[sflag:s8] =	ssyncadd.s32 $0xFFFFEC00  }
0x198: {  	_ =	swait.ge [sflag:s9], $0x1400  }
0x199: {  	[sflag:s9] =	ssyncset.done $0x0  }
0x19a: {  	s10 =	simm.s32 $0x10;
	[sflag:s9] =	ssyncadd.s32 $0xFFFFEC00  }
0x19b: {  	_ =	swait.ge [sflag:s10], $0x1400  }
0x19c: {  	[sflag:s10] =	ssyncset.done $0x0  }
0x19d: {  	s11 =	simm.s32 $0x11;
	[sflag:s10] =	ssyncadd.s32 $0xFFFFEC00  }
0x19e: {  	_ =	swait.ge [sflag:s11], $0x1400  }
0x19f: {  	[sflag:s11] =	ssyncset.done $0x0  }
0x1a0: {  	[sflag:s11] =	ssyncadd.s32 $0xFFFFEC00  }
0x1a1: {  	_ =	swait.ge [sflag:s19], $0x1400  }
0x1a2: {  	[sflag:s19] =	ssyncset.done $0x0  }
0x1a3: {  	[sflag:s19] =	ssyncadd.s32 $0xFFFFEC00  }
0x1a4: {  	_ =	swait.ge [sflag:s22], $0x1400  }
0x1a5: {  	[sflag:s22] =	ssyncset.done $0x0  }
0x1a6: {  	[sflag:s22] =	ssyncadd.s32 $0xFFFFEC00  }
0x1a7: {  	_ =	swait.ge [sflag:s26], $0x1400  }
0x1a8: {  	[sflag:s26] =	ssyncset.done $0x0  }
0x1a9: {  	[sflag:s26] =	ssyncadd.s32 $0xFFFFEC00  }
0x1aa: {  	_ =	swait.ge [sflag:s0], $0x1400  }
0x1ab: {  	[sflag:s0] =	ssyncset.done $0x0  }
0x1ac: {  	s12 =	simm.s32 $0x16;
	[sflag:s0] =	ssyncadd.s32 $0xFFFFEC00  }
0x1ad: {  	_ =	swait.ge [sflag:s12], $0x1400  }
0x1ae: {  	[sflag:s12] =	ssyncset.done $0x0  }
0x1af: {  	s13 =	simm.s32 $0x17;
	[sflag:s12] =	ssyncadd.s32 $0xFFFFEC00  }
0x1b0: {  	_ =	swait.ge [sflag:s13], $0x1400  }
0x1b1: {  	[sflag:s13] =	ssyncset.done $0x0  }
0x1b2: {  	s14 =	simm.s32 $0x18;
	[sflag:s13] =	ssyncadd.s32 $0xFFFFEC00  }
0x1b3: {  	_ =	swait.ge [sflag:s14], $0x1400  }
0x1b4: {  	[sflag:s14] =	ssyncset.done $0x0  }
0x1b5: {  	s15 =	simm.s32 $0x19;
	[sflag:s14] =	ssyncadd.s32 $0xFFFFEC00  }
0x1b6: {  	_ =	swait.ge [sflag:s15], $0x1400  }
0x1b7: {  	[sflag:s15] =	ssyncset.done $0x0  }
0x1b8: {  	s16 =	simm.s32 $0x1A;
	[sflag:s15] =	ssyncadd.s32 $0xFFFFEC00  }
0x1b9: {  	_ =	swait.ge [sflag:s16], $0x1400  }
0x1ba: {  	[sflag:s16] =	ssyncset.done $0x0  }
0x1bb: {  	s18 =	simm.s32 $0x1B;
	[sflag:s16] =	ssyncadd.s32 $0xFFFFEC00  }
0x1bc: {  	_ =	swait.ge [sflag:s18], $0x2710  }
0x1bd: {  	[sflag:s18] =	ssyncset.done $0x0  }
0x1be: {  	[sflag:s18] =	ssyncadd.s32 $0xFFFFD8F0  }
0x1bf: {  	[bflag:$0x0] =	sbarrier.arrive $0xFFFF  }
0x1c0: {  	s1 =	rddreg [dreg:$0xb]  }
0x1c1: {  	s10 =	rddreg [dreg:$0xe]  }
0x1c2: {  	s9 =	rddreg [dreg:$0x11]  }
0x1c3: {  	[hbm:s1], [sflag:s9] =	dma.local @p0 [spmem:s10], $0x1400  }
0x1c4: {  	s1 =	simm.s32 @p0 $0x1C  }
0x1c5: {  	_ =	swait.ge @p0 [sflag:s1], $0x1400  }
0x1c6: {  	[sflag:s1] =	ssyncset.done @p0 $0x0;
	s7 =	rddreg [dreg:$0x13]  }
0x1c7: {  	[sflag:s1] =	ssyncadd.s32 @p0 $0xFFFFEC00;
	s1 =	rddreg [dreg:$0xa]  }
0x1c8: {  	[hbm:s1], [sflag:s9] =	dma.local @!p0 [spmem:s7], $0x1380  }
0x1c9: {  	s1 =	simm.s32 @!p0 $0x1C  }
0x1ca: {  	_ =	swait.ge @!p0 [sflag:s1], $0x1380  }
0x1cb: {  	[sflag:s1] =	ssyncset.done @!p0 $0x0;
	s24 =	rddreg [dreg:$0xc]  }
0x1cc: {  	s12 =	rddreg [dreg:$0x12];
	[sflag:s1] =	ssyncadd.s32 @!p0 $0xFFFFEC80  }
0x1cd: {  	[hbm:s24], [sflag:s9] =	dma.local [spmem:s12], $0x50  }
0x1ce: {  	s24 =	simm.s32 $0x1C  }
0x1cf: {  	_ =	swait.ge [sflag:s24], $0x50  }
0x1d0: {  	s28 =	rddreg [dreg:$0x14]  }
0x1d1: {  	s30 =	rddreg [dreg:$0xd];
	s7 =	sadd.s32 $0x1, s28  }
0x1d2: {  	p1 =	sne.s32 s7, s30  }
.Ltmp1:
0x1d3: {  	_ = 	snop;
	(pc) =	sbr.rel @p1 .LBB2_1-.Ltmp1, $3  }
0x1d4: {  	_ =	sdelay $0x1  }
0x1d5: {  	s4 =	simm.s32 $0xEE70;
	s6 =	simm.s32 $0x10270;
	[sflag:s24] =	ssyncset.done $0x0  }
0x1d6: {  	s14 =	simm.s32 $0x11670;
	s18 =	simm.s32 $0x13E70;
	[sflag:s24] =	ssyncadd.s32 $0xFFFFFFB0  }
0x1d7: {  	_ =	sfence.sel $0x180000  }
0x1d8: {  	[bflag:$0x0] =	sbarrier.arrive $0xFFFF  }
0x1d9: {  	_ =	strace $0x90000047  }
0x1da: {  	s0 =	stileid.u32;
	[bflag:$0x2] =	sbarrier.arrive $0xFFFF  }
0x1db: {  	p0 =	sne.s32 s0, $0x0;
	s0 =	rddreg [dreg:$0x4]  }
0x1dc: {  	s0 =	sadd.s32 @!p0 $0x100000, s0  }
0x1dd: {  	[sflag:s0] =	ssyncadd.tile.s32 @!p0 $0x1;
	_ =	shalt  }
.Lfunc_end2:
_tile_overlayer_lowered:
.L_overlay_start_2:
0x1de: {  	(tag) =	ssettag $0x2  }
0x1df: {  	s0 =	rddreg [dreg:$0x0];
	s2 =	stileid.u32  }
0x1e0: {  	s1 =	rddreg [dreg:$0x1];
	p0 =	sne.s32 s2, $0x0  }
0x1e1: {  	s3 =	rddreg [dreg:$0x2];
	[bflag:$0x3] =	sbarrier.arrive $0xFFFF;
	s2 =	simm.s32 @!p0 $0x1C1C  }
0x1e2: {  	[timem:s3], [sflag:s2] =	dma.local @!p0 [hbm:s0], s1  }
0x1e3: {  	s0 =	simm.s32 @!p0 $0x1C  }
0x1e4: {  	_ =	swait.ge @!p0 [sflag:s0], s1  }
0x1e5: {  	s1 =	ssub.s32 @!p0 $0x0, s1;
	[sflag:s0] =	ssyncset.done @!p0 $0x0  }
0x1e6: {  	[sflag:s0] =	ssyncadd.s32 @!p0 s1  }
0x1e7: {  	[bflag:$0x3] =	sbarrier.arrive $0xFFFF  }
0x1e8: {  	_ =	shalt  }

</sc_bundles>
